<compile_context>
chip_gen: v7x
topology: tpu7x:2x2x1
jax: 0.10.2.dev20260603
libtpu: 0.0.44.dev20260713+nightly
codegen_flags: <defaults>
</compile_context>

<pallas_src>
import functools

import jax
import jax.numpy as jnp
from jax import lax
from jax.experimental import pallas as pl
from jax.experimental.pallas import tpu as pltpu
from jax.experimental.pallas import tpu_sc as plsc

_EPS = 1e-5

_NUM_SC = 2
_NUM_SUBCORES = 16
_LANES = 16
_NW = _NUM_SC * _NUM_SUBCORES
_NBUF = 4


@functools.lru_cache(maxsize=None)
def _make_pool(B, H, D):
    BPW = B // _NW
    assert B % _NW == 0 and BPW % _NBUF == 0 and D % _LANES == 0
    C0 = min(104, H)
    C1 = H - C0
    NCH = D // _LANES
    mesh = plsc.VectorSubcoreMesh(core_axis_name="c", subcore_axis_name="s")

    @functools.partial(
        pl.kernel,
        out_type=jax.ShapeDtypeStruct((B, D), jnp.float32),
        mesh=mesh,
        scratch_types=[
            pltpu.VMEM((BPW, H), jnp.int32),
            pltpu.VMEM((_NBUF, H, D), jnp.float32),
            pltpu.VMEM((BPW, D), jnp.float32),
            pltpu.SemaphoreType.DMA,
        ] + [pltpu.SemaphoreType.DMA] * _NBUF,
        compiler_params=pltpu.CompilerParams(use_tc_tiling_on_sc=False),
    )
    def pool(idx_hbm, emb_hbm, out_hbm, idx_v, rows_v, out_v, sem_i, *sems):
        wid = lax.axis_index("s") * _NUM_SC + lax.axis_index("c")
        base = wid * BPW
        pltpu.async_copy(idx_hbm.at[pl.ds(base, BPW)], idx_v, sem_i).wait()

        def fire(b, p):
            pltpu.make_async_copy(
                emb_hbm.at[idx_v.at[b, pl.ds(0, C0)]],
                rows_v.at[p, pl.ds(0, C0)], sems[p]).start()
            if C1:
                pltpu.make_async_copy(
                    emb_hbm.at[idx_v.at[b, pl.ds(C0, C1)]],
                    rows_v.at[p, pl.ds(C0, C1)], sems[p]).start()

        def wait(p):
            pltpu.make_async_copy(
                emb_hbm.at[idx_v.at[0, pl.ds(0, C0)]],
                rows_v.at[p, pl.ds(0, C0)], sems[p]).wait()
            if C1:
                pltpu.make_async_copy(
                    emb_hbm.at[idx_v.at[0, pl.ds(C0, C1)]],
                    rows_v.at[p, pl.ds(C0, C1)], sems[p]).wait()

        def reduce(b, p):
            def body(i, accs):
                return tuple(
                    a + rows_v[p, i, pl.ds(_LANES * c, _LANES)]
                    for c, a in enumerate(accs)
                )
            init = tuple(jnp.zeros((_LANES,), jnp.float32) for _ in range(NCH))
            accs = lax.fori_loop(0, H, body, init, unroll=8)
            for c in range(NCH):
                out_v[b, pl.ds(_LANES * c, _LANES)] = accs[c]

        for p in range(_NBUF):
            fire(p, p)

        @pl.loop(0, BPW, step=_NBUF)
        def _(b):
            for p in range(_NBUF):
                wait(p)
                reduce(b + p, p)

                @pl.when(b + p + _NBUF < BPW)
                def _():
                    fire(b + p + _NBUF, p)

        pltpu.sync_copy(out_v, out_hbm.at[pl.ds(base, BPW)])

    return pool


def _mlp_body(idx_ref, pooled_ref, w1_ref, w1r_ref, c1_ref, w2_ref, c2_ref,
              loc_ref, scale_ref):
    D = pooled_ref.shape[1]
    cnt = jnp.sum((idx_ref[...] > 0).astype(jnp.float32), axis=1, keepdims=True)
    x = pooled_ref[...] / cnt
    h = jnp.dot(x, w1_ref[...], preferred_element_type=jnp.float32)
    h = h + jnp.log(cnt) * w1r_ref[...] + c1_ref[...]
    h = jnp.maximum(h, 0.0)
    o = jnp.dot(h, w2_ref[...], preferred_element_type=jnp.float32) + c2_ref[...]
    loc_ref[...] = o[:, :D]
    scale_ref[...] = jax.nn.softplus(o[:, D:])


def kernel(idx, read_depth, emb, W1, b1, bn1_g, bn1_b, bn1_m, bn1_v,
           W2, b2, bn2_g, bn2_b, bn2_m, bn2_v):
    del read_depth
    idx = idx.astype(jnp.int32)
    B, H = idx.shape
    D = emb.shape[1]
    HID = W1.shape[1]

    a1 = bn1_g / jnp.sqrt(bn1_v + _EPS)
    W1s = W1 * a1[None, :]
    c1 = ((b1 - bn1_m) * a1 + bn1_b)[None, :]
    a2 = bn2_g / jnp.sqrt(bn2_v + _EPS)
    W2s = W2 * a2[None, :]
    c2 = ((b2 - bn2_m) * a2 + bn2_b)[None, :]

    pooled = _make_pool(B, H, D)(idx, emb)

    BB = 2048
    grid = (B // BB,)
    loc, scale = pl.pallas_call(
        _mlp_body,
        grid=grid,
        in_specs=[
            pl.BlockSpec((BB, H), lambda i: (i, 0)),
            pl.BlockSpec((BB, D), lambda i: (i, 0)),
            pl.BlockSpec((D, HID), lambda i: (0, 0)),
            pl.BlockSpec((1, HID), lambda i: (0, 0)),
            pl.BlockSpec((1, HID), lambda i: (0, 0)),
            pl.BlockSpec((HID, 2 * D), lambda i: (0, 0)),
            pl.BlockSpec((1, 2 * D), lambda i: (0, 0)),
        ],
        out_specs=[
            pl.BlockSpec((BB, D), lambda i: (i, 0)),
            pl.BlockSpec((BB, D), lambda i: (i, 0)),
        ],
        out_shape=[
            jax.ShapeDtypeStruct((B, D), jnp.float32),
            jax.ShapeDtypeStruct((B, D), jnp.float32),
        ],
    )(idx, pooled, W1s[:D], W1s[D:D + 1], c1, W2s, c2)
    return loc, scale

# --- scband reference (transcript-rebuilt; emitter-appended) ---
"""Pipeline reference for scband-danencoder-33243046871570 (READ-ONLY COPY).

The authoritative reference and input builder live on the scoring server;
editing this copy changes nothing except your own understanding.
"""

import jax, jax.numpy as jnp
import numpy as np

NUM_ENDOG = 100000
EMB = 64
HIDDEN = 128
NUM_TOPICS = 64
BATCH = 4096
HIST = 200
EPS = 1e-5


def setup_inputs(seed: int = 0) -> dict:
    key = jax.random.key(seed)
    ks = jax.random.split(key, 8)
    idx = jax.random.randint(ks[0], (BATCH, HIST), 0, NUM_ENDOG + 1, dtype=jnp.int64 if jax.config.jax_enable_x64 else jnp.int32)
    read_depth = jnp.ones((BATCH, 1), dtype=jnp.float32)
    emb = jax.random.normal(ks[1], (NUM_ENDOG + 1, EMB), dtype=jnp.float32) * 0.02
    emb = emb.at[0].set(0.0)  # padding_idx=0
    W1 = jax.random.normal(ks[2], (EMB + 1, HIDDEN), dtype=jnp.float32) * 0.05
    b1 = jnp.zeros((HIDDEN,), dtype=jnp.float32)
    bn1_g = jnp.ones((HIDDEN,), dtype=jnp.float32)
    bn1_b = jnp.zeros((HIDDEN,), dtype=jnp.float32)
    bn1_m = jnp.zeros((HIDDEN,), dtype=jnp.float32)
    bn1_v = jnp.ones((HIDDEN,), dtype=jnp.float32)
    W2 = jax.random.normal(ks[3], (HIDDEN, 2 * NUM_TOPICS), dtype=jnp.float32) * 0.05
    b2 = jnp.zeros((2 * NUM_TOPICS,), dtype=jnp.float32)
    bn2_g = jnp.ones((2 * NUM_TOPICS,), dtype=jnp.float32)
    bn2_b = jnp.zeros((2 * NUM_TOPICS,), dtype=jnp.float32)
    bn2_m = jnp.zeros((2 * NUM_TOPICS,), dtype=jnp.float32)
    bn2_v = jnp.ones((2 * NUM_TOPICS,), dtype=jnp.float32)
    return {
        "idx": idx, "read_depth": read_depth, "emb": emb,
        "W1": W1, "b1": b1, "bn1_g": bn1_g, "bn1_b": bn1_b, "bn1_m": bn1_m, "bn1_v": bn1_v,
        "W2": W2, "b2": b2, "bn2_g": bn2_g, "bn2_b": bn2_b, "bn2_m": bn2_m, "bn2_v": bn2_v,
    }


def reference(idx, read_depth, emb, W1, b1, bn1_g, bn1_b, bn1_m, bn1_v, W2, b2, bn2_g, bn2_b, bn2_m, bn2_v):
    # Eval mode: no bernoulli corruption, dropout is identity.
    corrupted_idx = idx
    # calc_readdepth=True: recompute read_depth from indices (overrides input).
    rd = jnp.sum(corrupted_idx > 0, axis=-1, keepdims=True).astype(jnp.float32)
    # Embedding lookup (padding_idx=0 row is zero in the table).
    embeddings = jnp.take(emb, corrupted_idx, axis=0)  # [B, L, EMB]
    ave_embeddings = embeddings.sum(axis=1) / rd
    X = jnp.concatenate([ave_embeddings, jnp.log(rd)], axis=1)  # [B, EMB+1]
    # fc layer 1: Linear -> BatchNorm1d (eval) -> ReLU (dropout identity in eval)
    X = X @ W1 + b1
    X = (X - bn1_m) / jnp.sqrt(bn1_v + EPS) * bn1_g + bn1_b
    X = jax.nn.relu(X)
    # fc layer 2 (skip_nonlin): Linear -> BatchNorm1d (eval)
    X = X @ W2 + b2
    X = (X - bn2_m) / jnp.sqrt(bn2_v + EPS) * bn2_g + bn2_b
    theta_loc = X[:, :NUM_TOPICS]
    theta_scale = jax.nn.softplus(X[:, NUM_TOPICS:2 * NUM_TOPICS])
    return (theta_loc, theta_scale)

if __name__ == "__main__":
    import jax
    _d = setup_inputs()
    print(jax.jit(kernel)(*tuple(_d.values())))

</pallas_src>

<mosaic_0001>
#map = affine_map<(d0, d1) -> (0, 0)>
module attributes {stable_mosaic.version = 14 : i64} {
  func.func @pool(%arg0: i32, %arg1: i32, %arg2: memref<4096x200xi32, #tpu.memory_space<hbm>>, %arg3: memref<100001x64xf32, #tpu.memory_space<hbm>>, %arg4: memref<4096x64xf32, #tpu.memory_space<hbm>>, %arg5: memref<128x200xi32, #tpu.memory_space<vmem>>, %arg6: memref<4x200x64xf32, #tpu.memory_space<vmem>>, %arg7: memref<128x64xf32, #tpu.memory_space<vmem>>, %arg8: memref<!tpu.dma_semaphore, #tpu.memory_space<semaphore_mem>>, %arg9: memref<!tpu.dma_semaphore, #tpu.memory_space<semaphore_mem>>, %arg10: memref<!tpu.dma_semaphore, #tpu.memory_space<semaphore_mem>>, %arg11: memref<!tpu.dma_semaphore, #tpu.memory_space<semaphore_mem>>, %arg12: memref<!tpu.dma_semaphore, #tpu.memory_space<semaphore_mem>>) attributes {dimension_semantics = [#tpu.dimension_semantics<core_parallel>, #tpu.dimension_semantics<subcore_parallel>], iteration_bounds = array<i64: 2, 16>, scalar_prefetch = 0 : i64, scratch_operands = 8 : i64, tpu.core_type = #tpu.core_type<sc_vector_subcore>, window_params = [{transform_indices = #map}, {transform_indices = #map}, {transform_indices = #map}]} {
    %mul3A = arith.constant 2 : i32
    %mul3A_0 = arith.muli %arg1, %mul3A : i32
    %add3A = arith.addi %mul3A_0, %arg0 : i32
    %mul3A_1 = arith.constant 128 : i32
    %mul3A_2 = arith.muli %add3A, %mul3A_1 : i32
    %dma_start3A = arith.constant 0 : i32
    %dma_start3A_3 = tpu.memref_slice %arg2[%mul3A_2, %dma_start3A] : memref<4096x200xi32, #tpu.memory_space<hbm>> -> memref<128x200xi32, #tpu.memory_space<hbm>>
    %dma_start3A_4 = arith.constant 0 : i32
    %dma_start3A_5 = tpu.memref_slice %arg2[%mul3A_2, %dma_start3A_4] : memref<4096x200xi32, #tpu.memory_space<hbm>> -> memref<128x200xi32, #tpu.memory_space<hbm>>
    tpu.enqueue_dma source(%dma_start3A_5 : memref<128x200xi32, #tpu.memory_space<hbm>>) target(%arg5 : memref<128x200xi32, #tpu.memory_space<vmem>>) target_semaphore(%arg8 : memref<!tpu.dma_semaphore, #tpu.memory_space<semaphore_mem>>)
    %dma_wait3A = arith.constant 0 : i32
    %dma_wait3A_6 = tpu.memref_slice %arg2[%mul3A_2, %dma_wait3A] : memref<4096x200xi32, #tpu.memory_space<hbm>> -> memref<128x200xi32, #tpu.memory_space<hbm>>
    %dma_wait3A_7 = arith.constant 0 : i32
    %dma_wait3A_8 = tpu.memref_slice %arg2[%mul3A_2, %dma_wait3A_7] : memref<4096x200xi32, #tpu.memory_space<hbm>> -> memref<128x200xi32, #tpu.memory_space<hbm>>
    tpu.wait_dma2 semaphore(%arg8 : memref<!tpu.dma_semaphore, #tpu.memory_space<semaphore_mem>>) src(%dma_wait3A_8 : memref<128x200xi32, #tpu.memory_space<hbm>>) dst(%arg5 : memref<128x200xi32, #tpu.memory_space<vmem>>)
    %dma_start3A_9 = arith.constant 0 : i32
    %dma_start3A_10 = arith.constant 0 : i32
    %dma_start3A_11 = arith.constant 0 : i32
    %dma_start3A_12 = arith.constant 0 : i32
    %dma_start3A_13 = tpu.memref_slice %arg6[%dma_start3A_10, %dma_start3A_11, %dma_start3A_12] : memref<4x200x64xf32, #tpu.memory_space<vmem>> -> memref<1x104x64xf32, #tpu.memory_space<vmem>>
    %dma_start3A_14 = tpu.memref_squeeze %dma_start3A_13 : memref<1x104x64xf32, #tpu.memory_space<vmem>> -> memref<104x64xf32, #tpu.memory_space<vmem>>
    %dma_start3A_15 = arith.constant 0 : i32
    %dma_start3A_16 = tpu.memref_slice %arg5[%dma_start3A_9, %dma_start3A_15] : memref<128x200xi32, #tpu.memory_space<vmem>> -> memref<1x104xi32, #tpu.memory_space<vmem>>
    %dma_start3A_17 = tpu.memref_squeeze %dma_start3A_16 : memref<1x104xi32, #tpu.memory_space<vmem>> -> memref<104xi32, #tpu.memory_space<vmem>>
    %dma_start3A_18 = arith.constant 0 : i32
    %dma_start3A_19 = arith.constant 0 : i32
    %dma_start3A_20 = tpu.memref_slice %arg3[%dma_start3A_18, %dma_start3A_19] : memref<100001x64xf32, #tpu.memory_space<hbm>> -> memref<100001x64xf32, #tpu.memory_space<hbm>>
    tpu.enqueue_indirect_dma source(%dma_start3A_20 : memref<100001x64xf32, #tpu.memory_space<hbm>>) target(%dma_start3A_14 : memref<104x64xf32, #tpu.memory_space<vmem>>) offsets(%dma_start3A_17 : memref<104xi32, #tpu.memory_space<vmem>>) semaphore(%arg9 : memref<!tpu.dma_semaphore, #tpu.memory_space<semaphore_mem>>)
    %dma_start3A_21 = arith.constant 0 : i32
    %dma_start3A_22 = arith.constant 0 : i32
    %dma_start3A_23 = arith.constant 104 : i32
    %dma_start3A_24 = arith.constant 0 : i32
    %dma_start3A_25 = tpu.memref_slice %arg6[%dma_start3A_22, %dma_start3A_23, %dma_start3A_24] : memref<4x200x64xf32, #tpu.memory_space<vmem>> -> memref<1x96x64xf32, #tpu.memory_space<vmem>>
    %dma_start3A_26 = tpu.memref_squeeze %dma_start3A_25 : memref<1x96x64xf32, #tpu.memory_space<vmem>> -> memref<96x64xf32, #tpu.memory_space<vmem>>
    %dma_start3A_27 = arith.constant 104 : i32
    %dma_start3A_28 = tpu.memref_slice %arg5[%dma_start3A_21, %dma_start3A_27] : memref<128x200xi32, #tpu.memory_space<vmem>> -> memref<1x96xi32, #tpu.memory_space<vmem>>
    %dma_start3A_29 = tpu.memref_squeeze %dma_start3A_28 : memref<1x96xi32, #tpu.memory_space<vmem>> -> memref<96xi32, #tpu.memory_space<vmem>>
    %dma_start3A_30 = arith.constant 0 : i32
    %dma_start3A_31 = arith.constant 0 : i32
    %dma_start3A_32 = tpu.memref_slice %arg3[%dma_start3A_30, %dma_start3A_31] : memref<100001x64xf32, #tpu.memory_space<hbm>> -> memref<100001x64xf32, #tpu.memory_space<hbm>>
    tpu.enqueue_indirect_dma source(%dma_start3A_32 : memref<100001x64xf32, #tpu.memory_space<hbm>>) target(%dma_start3A_26 : memref<96x64xf32, #tpu.memory_space<vmem>>) offsets(%dma_start3A_29 : memref<96xi32, #tpu.memory_space<vmem>>) semaphore(%arg9 : memref<!tpu.dma_semaphore, #tpu.memory_space<semaphore_mem>>)
    %dma_start3A_33 = arith.constant 1 : i32
    %dma_start3A_34 = arith.constant 1 : i32
    %dma_start3A_35 = arith.constant 0 : i32
    %dma_start3A_36 = arith.constant 0 : i32
    %dma_start3A_37 = tpu.memref_slice %arg6[%dma_start3A_34, %dma_start3A_35, %dma_start3A_36] : memref<4x200x64xf32, #tpu.memory_space<vmem>> -> memref<1x104x64xf32, #tpu.memory_space<vmem>>
    %dma_start3A_38 = tpu.memref_squeeze %dma_start3A_37 : memref<1x104x64xf32, #tpu.memory_space<vmem>> -> memref<104x64xf32, #tpu.memory_space<vmem>>
    %dma_start3A_39 = arith.constant 0 : i32
    %dma_start3A_40 = tpu.memref_slice %arg5[%dma_start3A_33, %dma_start3A_39] : memref<128x200xi32, #tpu.memory_space<vmem>> -> memref<1x104xi32, #tpu.memory_space<vmem>>
    %dma_start3A_41 = tpu.memref_squeeze %dma_start3A_40 : memref<1x104xi32, #tpu.memory_space<vmem>> -> memref<104xi32, #tpu.memory_space<vmem>>
    %dma_start3A_42 = arith.constant 0 : i32
    %dma_start3A_43 = arith.constant 0 : i32
    %dma_start3A_44 = tpu.memref_slice %arg3[%dma_start3A_42, %dma_start3A_43] : memref<100001x64xf32, #tpu.memory_space<hbm>> -> memref<100001x64xf32, #tpu.memory_space<hbm>>
    tpu.enqueue_indirect_dma source(%dma_start3A_44 : memref<100001x64xf32, #tpu.memory_space<hbm>>) target(%dma_start3A_38 : memref<104x64xf32, #tpu.memory_space<vmem>>) offsets(%dma_start3A_41 : memref<104xi32, #tpu.memory_space<vmem>>) semaphore(%arg10 : memref<!tpu.dma_semaphore, #tpu.memory_space<semaphore_mem>>)
    %dma_start3A_45 = arith.constant 1 : i32
    %dma_start3A_46 = arith.constant 1 : i32
    %dma_start3A_47 = arith.constant 104 : i32
    %dma_start3A_48 = arith.constant 0 : i32
    %dma_start3A_49 = tpu.memref_slice %arg6[%dma_start3A_46, %dma_start3A_47, %dma_start3A_48] : memref<4x200x64xf32, #tpu.memory_space<vmem>> -> memref<1x96x64xf32, #tpu.memory_space<vmem>>
    %dma_start3A_50 = tpu.memref_squeeze %dma_start3A_49 : memref<1x96x64xf32, #tpu.memory_space<vmem>> -> memref<96x64xf32, #tpu.memory_space<vmem>>
    %dma_start3A_51 = arith.constant 104 : i32
    %dma_start3A_52 = tpu.memref_slice %arg5[%dma_start3A_45, %dma_start3A_51] : memref<128x200xi32, #tpu.memory_space<vmem>> -> memref<1x96xi32, #tpu.memory_space<vmem>>
    %dma_start3A_53 = tpu.memref_squeeze %dma_start3A_52 : memref<1x96xi32, #tpu.memory_space<vmem>> -> memref<96xi32, #tpu.memory_space<vmem>>
    %dma_start3A_54 = arith.constant 0 : i32
    %dma_start3A_55 = arith.constant 0 : i32
    %dma_start3A_56 = tpu.memref_slice %arg3[%dma_start3A_54, %dma_start3A_55] : memref<100001x64xf32, #tpu.memory_space<hbm>> -> memref<100001x64xf32, #tpu.memory_space<hbm>>
    tpu.enqueue_indirect_dma source(%dma_start3A_56 : memref<100001x64xf32, #tpu.memory_space<hbm>>) target(%dma_start3A_50 : memref<96x64xf32, #tpu.memory_space<vmem>>) offsets(%dma_start3A_53 : memref<96xi32, #tpu.memory_space<vmem>>) semaphore(%arg10 : memref<!tpu.dma_semaphore, #tpu.memory_space<semaphore_mem>>)
    %dma_start3A_57 = arith.constant 2 : i32
    %dma_start3A_58 = arith.constant 2 : i32
    %dma_start3A_59 = arith.constant 0 : i32
    %dma_start3A_60 = arith.constant 0 : i32
    %dma_start3A_61 = tpu.memref_slice %arg6[%dma_start3A_58, %dma_start3A_59, %dma_start3A_60] : memref<4x200x64xf32, #tpu.memory_space<vmem>> -> memref<1x104x64xf32, #tpu.memory_space<vmem>>
    %dma_start3A_62 = tpu.memref_squeeze %dma_start3A_61 : memref<1x104x64xf32, #tpu.memory_space<vmem>> -> memref<104x64xf32, #tpu.memory_space<vmem>>
    %dma_start3A_63 = arith.constant 0 : i32
    %dma_start3A_64 = tpu.memref_slice %arg5[%dma_start3A_57, %dma_start3A_63] : memref<128x200xi32, #tpu.memory_space<vmem>> -> memref<1x104xi32, #tpu.memory_space<vmem>>
    %dma_start3A_65 = tpu.memref_squeeze %dma_start3A_64 : memref<1x104xi32, #tpu.memory_space<vmem>> -> memref<104xi32, #tpu.memory_space<vmem>>
    %dma_start3A_66 = arith.constant 0 : i32
    %dma_start3A_67 = arith.constant 0 : i32
    %dma_start3A_68 = tpu.memref_slice %arg3[%dma_start3A_66, %dma_start3A_67] : memref<100001x64xf32, #tpu.memory_space<hbm>> -> memref<100001x64xf32, #tpu.memory_space<hbm>>
    tpu.enqueue_indirect_dma source(%dma_start3A_68 : memref<100001x64xf32, #tpu.memory_space<hbm>>) target(%dma_start3A_62 : memref<104x64xf32, #tpu.memory_space<vmem>>) offsets(%dma_start3A_65 : memref<104xi32, #tpu.memory_space<vmem>>) semaphore(%arg11 : memref<!tpu.dma_semaphore, #tpu.memory_space<semaphore_mem>>)
    %dma_start3A_69 = arith.constant 2 : i32
    %dma_start3A_70 = arith.constant 2 : i32
    %dma_start3A_71 = arith.constant 104 : i32
    %dma_start3A_72 = arith.constant 0 : i32
    %dma_start3A_73 = tpu.memref_slice %arg6[%dma_start3A_70, %dma_start3A_71, %dma_start3A_72] : memref<4x200x64xf32, #tpu.memory_space<vmem>> -> memref<1x96x64xf32, #tpu.memory_space<vmem>>
    %dma_start3A_74 = tpu.memref_squeeze %dma_start3A_73 : memref<1x96x64xf32, #tpu.memory_space<vmem>> -> memref<96x64xf32, #tpu.memory_space<vmem>>
    %dma_start3A_75 = arith.constant 104 : i32
    %dma_start3A_76 = tpu.memref_slice %arg5[%dma_start3A_69, %dma_start3A_75] : memref<128x200xi32, #tpu.memory_space<vmem>> -> memref<1x96xi32, #tpu.memory_space<vmem>>
    %dma_start3A_77 = tpu.memref_squeeze %dma_start3A_76 : memref<1x96xi32, #tpu.memory_space<vmem>> -> memref<96xi32, #tpu.memory_space<vmem>>
    %dma_start3A_78 = arith.constant 0 : i32
    %dma_start3A_79 = arith.constant 0 : i32
    %dma_start3A_80 = tpu.memref_slice %arg3[%dma_start3A_78, %dma_start3A_79] : memref<100001x64xf32, #tpu.memory_space<hbm>> -> memref<100001x64xf32, #tpu.memory_space<hbm>>
    tpu.enqueue_indirect_dma source(%dma_start3A_80 : memref<100001x64xf32, #tpu.memory_space<hbm>>) target(%dma_start3A_74 : memref<96x64xf32, #tpu.memory_space<vmem>>) offsets(%dma_start3A_77 : memref<96xi32, #tpu.memory_space<vmem>>) semaphore(%arg11 : memref<!tpu.dma_semaphore, #tpu.memory_space<semaphore_mem>>)
    %dma_start3A_81 = arith.constant 3 : i32
    %dma_start3A_82 = arith.constant 3 : i32
    %dma_start3A_83 = arith.constant 0 : i32
    %dma_start3A_84 = arith.constant 0 : i32
    %dma_start3A_85 = tpu.memref_slice %arg6[%dma_start3A_82, %dma_start3A_83, %dma_start3A_84] : memref<4x200x64xf32, #tpu.memory_space<vmem>> -> memref<1x104x64xf32, #tpu.memory_space<vmem>>
    %dma_start3A_86 = tpu.memref_squeeze %dma_start3A_85 : memref<1x104x64xf32, #tpu.memory_space<vmem>> -> memref<104x64xf32, #tpu.memory_space<vmem>>
    %dma_start3A_87 = arith.constant 0 : i32
    %dma_start3A_88 = tpu.memref_slice %arg5[%dma_start3A_81, %dma_start3A_87] : memref<128x200xi32, #tpu.memory_space<vmem>> -> memref<1x104xi32, #tpu.memory_space<vmem>>
    %dma_start3A_89 = tpu.memref_squeeze %dma_start3A_88 : memref<1x104xi32, #tpu.memory_space<vmem>> -> memref<104xi32, #tpu.memory_space<vmem>>
    %dma_start3A_90 = arith.constant 0 : i32
    %dma_start3A_91 = arith.constant 0 : i32
    %dma_start3A_92 = tpu.memref_slice %arg3[%dma_start3A_90, %dma_start3A_91] : memref<100001x64xf32, #tpu.memory_space<hbm>> -> memref<100001x64xf32, #tpu.memory_space<hbm>>
    tpu.enqueue_indirect_dma source(%dma_start3A_92 : memref<100001x64xf32, #tpu.memory_space<hbm>>) target(%dma_start3A_86 : memref<104x64xf32, #tpu.memory_space<vmem>>) offsets(%dma_start3A_89 : memref<104xi32, #tpu.memory_space<vmem>>) semaphore(%arg12 : memref<!tpu.dma_semaphore, #tpu.memory_space<semaphore_mem>>)
    %dma_start3A_93 = arith.constant 3 : i32
    %dma_start3A_94 = arith.constant 3 : i32
    %dma_start3A_95 = arith.constant 104 : i32
    %dma_start3A_96 = arith.constant 0 : i32
    %dma_start3A_97 = tpu.memref_slice %arg6[%dma_start3A_94, %dma_start3A_95, %dma_start3A_96] : memref<4x200x64xf32, #tpu.memory_space<vmem>> -> memref<1x96x64xf32, #tpu.memory_space<vmem>>
    %dma_start3A_98 = tpu.memref_squeeze %dma_start3A_97 : memref<1x96x64xf32, #tpu.memory_space<vmem>> -> memref<96x64xf32, #tpu.memory_space<vmem>>
    %dma_start3A_99 = arith.constant 104 : i32
    %dma_start3A_100 = tpu.memref_slice %arg5[%dma_start3A_93, %dma_start3A_99] : memref<128x200xi32, #tpu.memory_space<vmem>> -> memref<1x96xi32, #tpu.memory_space<vmem>>
    %dma_start3A_101 = tpu.memref_squeeze %dma_start3A_100 : memref<1x96xi32, #tpu.memory_space<vmem>> -> memref<96xi32, #tpu.memory_space<vmem>>
    %dma_start3A_102 = arith.constant 0 : i32
    %dma_start3A_103 = arith.constant 0 : i32
    %dma_start3A_104 = tpu.memref_slice %arg3[%dma_start3A_102, %dma_start3A_103] : memref<100001x64xf32, #tpu.memory_space<hbm>> -> memref<100001x64xf32, #tpu.memory_space<hbm>>
    tpu.enqueue_indirect_dma source(%dma_start3A_104 : memref<100001x64xf32, #tpu.memory_space<hbm>>) target(%dma_start3A_98 : memref<96x64xf32, #tpu.memory_space<vmem>>) offsets(%dma_start3A_101 : memref<96xi32, #tpu.memory_space<vmem>>) semaphore(%arg12 : memref<!tpu.dma_semaphore, #tpu.memory_space<semaphore_mem>>)
    %scan3A = arith.constant 0 : i32
    %scan3A_105 = arith.constant 32 : i32
    %scan3A_106 = arith.addi %scan3A, %scan3A_105 : i32
    %scan3A_107 = arith.constant 1 : i32
    scf.for %scan3A_109 = %scan3A to %scan3A_106 step %scan3A_107  : i32 {
      %mul3A_110 = arith.constant 4 : i32
      %mul3A_111 = arith.muli %scan3A_109, %mul3A_110 : i32
      %add3A_112 = arith.constant 0 : i32
      %add3A_113 = arith.addi %add3A_112, %mul3A_111 : i32
      %dma_wait3A_114 = arith.constant 0 : i32
      %dma_wait3A_115 = arith.constant 0 : i32
      %dma_wait3A_116 = arith.constant 0 : i32
      %dma_wait3A_117 = arith.constant 0 : i32
      %dma_wait3A_118 = tpu.memref_slice %arg6[%dma_wait3A_115, %dma_wait3A_116, %dma_wait3A_117] : memref<4x200x64xf32, #tpu.memory_space<vmem>> -> memref<1x104x64xf32, #tpu.memory_space<vmem>>
      %dma_wait3A_119 = tpu.memref_squeeze %dma_wait3A_118 : memref<1x104x64xf32, #tpu.memory_space<vmem>> -> memref<104x64xf32, #tpu.memory_space<vmem>>
      %dma_wait3A_120 = arith.constant 0 : i32
      %dma_wait3A_121 = tpu.memref_slice %arg5[%dma_wait3A_114, %dma_wait3A_120] : memref<128x200xi32, #tpu.memory_space<vmem>> -> memref<1x104xi32, #tpu.memory_space<vmem>>
      %dma_wait3A_122 = tpu.memref_squeeze %dma_wait3A_121 : memref<1x104xi32, #tpu.memory_space<vmem>> -> memref<104xi32, #tpu.memory_space<vmem>>
      %dma_wait3A_123 = arith.constant 0 : i32
      %dma_wait3A_124 = arith.constant 0 : i32
      %dma_wait3A_125 = tpu.memref_slice %arg3[%dma_wait3A_123, %dma_wait3A_124] : memref<100001x64xf32, #tpu.memory_space<hbm>> -> memref<100001x64xf32, #tpu.memory_space<hbm>>
      tpu.wait_indirect_dma semaphore(%arg9 : memref<!tpu.dma_semaphore, #tpu.memory_space<semaphore_mem>>) src(%dma_wait3A_125 : memref<100001x64xf32, #tpu.memory_space<hbm>>) dst(%dma_wait3A_119 : memref<104x64xf32, #tpu.memory_space<vmem>>)
      %dma_wait3A_126 = arith.constant 0 : i32
      %dma_wait3A_127 = arith.constant 0 : i32
      %dma_wait3A_128 = arith.constant 104 : i32
      %dma_wait3A_129 = arith.constant 0 : i32
      %dma_wait3A_130 = tpu.memref_slice %arg6[%dma_wait3A_127, %dma_wait3A_128, %dma_wait3A_129] : memref<4x200x64xf32, #tpu.memory_space<vmem>> -> memref<1x96x64xf32, #tpu.memory_space<vmem>>
      %dma_wait3A_131 = tpu.memref_squeeze %dma_wait3A_130 : memref<1x96x64xf32, #tpu.memory_space<vmem>> -> memref<96x64xf32, #tpu.memory_space<vmem>>
      %dma_wait3A_132 = arith.constant 104 : i32
      %dma_wait3A_133 = tpu.memref_slice %arg5[%dma_wait3A_126, %dma_wait3A_132] : memref<128x200xi32, #tpu.memory_space<vmem>> -> memref<1x96xi32, #tpu.memory_space<vmem>>
      %dma_wait3A_134 = tpu.memref_squeeze %dma_wait3A_133 : memref<1x96xi32, #tpu.memory_space<vmem>> -> memref<96xi32, #tpu.memory_space<vmem>>
      %dma_wait3A_135 = arith.constant 0 : i32
      %dma_wait3A_136 = arith.constant 0 : i32
      %dma_wait3A_137 = tpu.memref_slice %arg3[%dma_wait3A_135, %dma_wait3A_136] : memref<100001x64xf32, #tpu.memory_space<hbm>> -> memref<100001x64xf32, #tpu.memory_space<hbm>>
      tpu.wait_indirect_dma semaphore(%arg9 : memref<!tpu.dma_semaphore, #tpu.memory_space<semaphore_mem>>) src(%dma_wait3A_137 : memref<100001x64xf32, #tpu.memory_space<hbm>>) dst(%dma_wait3A_131 : memref<96x64xf32, #tpu.memory_space<vmem>>)
      %add3A_138 = arith.constant 0 : i32
      %add3A_139 = arith.addi %add3A_113, %add3A_138 : i32
      %broadcast_in_dim3A = arith.constant 0.000000e+00 : f32
      %broadcast_in_dim3A_140 = vector.broadcast %broadcast_in_dim3A : f32 to vector<16xf32>
      %broadcast_in_dim3A_141 = arith.constant 0.000000e+00 : f32
      %broadcast_in_dim3A_142 = vector.broadcast %broadcast_in_dim3A_141 : f32 to vector<16xf32>
      %broadcast_in_dim3A_143 = arith.constant 0.000000e+00 : f32
      %broadcast_in_dim3A_144 = vector.broadcast %broadcast_in_dim3A_143 : f32 to vector<16xf32>
      %broadcast_in_dim3A_145 = arith.constant 0.000000e+00 : f32
      %broadcast_in_dim3A_146 = vector.broadcast %broadcast_in_dim3A_145 : f32 to vector<16xf32>
      %scan3A_147 = arith.constant 0 : i32
      %scan3A_148 = arith.constant 200 : i32
      %scan3A_149 = arith.addi %scan3A_147, %scan3A_148 : i32
      %scan3A_150 = arith.constant 8 : i32
      %scan3A_151:4 = scf.for %scan3A_385 = %scan3A_147 to %scan3A_149 step %scan3A_150 iter_args(%scan3A_386 = %broadcast_in_dim3A_140, %scan3A_387 = %broadcast_in_dim3A_142, %scan3A_388 = %broadcast_in_dim3A_144, %scan3A_389 = %broadcast_in_dim3A_146) -> (vector<16xf32>, vector<16xf32>, vector<16xf32>, vector<16xf32>)  : i32 {
        %get3A = arith.constant 0 : i32
        %get3A_390 = arith.index_cast %get3A : i32 to index
        %get3A_391 = arith.index_cast %scan3A_385 : i32 to index
        %get3A_392 = arith.constant 0 : index
        %get3A_393 = tpu.vector_load %arg6[%get3A_390, %get3A_391, %get3A_392] {strides = array<i32>} : memref<4x200x64xf32, #tpu.memory_space<vmem>>, vector<1x1x16xf32>,
        %get3A_394 = vector.shape_cast %get3A_393 : vector<1x1x16xf32> to vector<16xf32>
        %add3A_395 = arith.addf %scan3A_386, %get3A_394 : vector<16xf32>
        %get3A_396 = arith.constant 0 : i32
        %get3A_397 = arith.index_cast %get3A_396 : i32 to index
        %get3A_398 = arith.index_cast %scan3A_385 : i32 to index
        %get3A_399 = arith.constant 16 : index
        %get3A_400 = tpu.vector_load %arg6[%get3A_397, %get3A_398, %get3A_399] {strides = array<i32>} : memref<4x200x64xf32, #tpu.memory_space<vmem>>, vector<1x1x16xf32>,
        %get3A_401 = vector.shape_cast %get3A_400 : vector<1x1x16xf32> to vector<16xf32>
        %add3A_402 = arith.addf %scan3A_387, %get3A_401 : vector<16xf32>
        %get3A_403 = arith.constant 0 : i32
        %get3A_404 = arith.index_cast %get3A_403 : i32 to index
        %get3A_405 = arith.index_cast %scan3A_385 : i32 to index
        %get3A_406 = arith.constant 32 : index
        %get3A_407 = tpu.vector_load %arg6[%get3A_404, %get3A_405, %get3A_406] {strides = array<i32>} : memref<4x200x64xf32, #tpu.memory_space<vmem>>, vector<1x1x16xf32>,
        %get3A_408 = vector.shape_cast %get3A_407 : vector<1x1x16xf32> to vector<16xf32>
        %add3A_409 = arith.addf %scan3A_388, %get3A_408 : vector<16xf32>
        %get3A_410 = arith.constant 0 : i32
        %get3A_411 = arith.index_cast %get3A_410 : i32 to index
        %get3A_412 = arith.index_cast %scan3A_385 : i32 to index
        %get3A_413 = arith.constant 48 : index
        %get3A_414 = tpu.vector_load %arg6[%get3A_411, %get3A_412, %get3A_413] {strides = array<i32>} : memref<4x200x64xf32, #tpu.memory_space<vmem>>, vector<1x1x16xf32>,
        %get3A_415 = vector.shape_cast %get3A_414 : vector<1x1x16xf32> to vector<16xf32>
        %add3A_416 = arith.addf %scan3A_389, %get3A_415 : vector<16xf32>
        %scan3A_417 = arith.constant 1 : i32
        %scan3A_418 = arith.addi %scan3A_385, %scan3A_417 : i32
        %get3A_419 = arith.constant 0 : i32
        %get3A_420 = arith.index_cast %get3A_419 : i32 to index
        %get3A_421 = arith.index_cast %scan3A_418 : i32 to index
        %get3A_422 = arith.constant 0 : index
        %get3A_423 = tpu.vector_load %arg6[%get3A_420, %get3A_421, %get3A_422] {strides = array<i32>} : memref<4x200x64xf32, #tpu.memory_space<vmem>>, vector<1x1x16xf32>,
        %get3A_424 = vector.shape_cast %get3A_423 : vector<1x1x16xf32> to vector<16xf32>
        %add3A_425 = arith.addf %add3A_395, %get3A_424 : vector<16xf32>
        %get3A_426 = arith.constant 0 : i32
        %get3A_427 = arith.index_cast %get3A_426 : i32 to index
        %get3A_428 = arith.index_cast %scan3A_418 : i32 to index
        %get3A_429 = arith.constant 16 : index
        %get3A_430 = tpu.vector_load %arg6[%get3A_427, %get3A_428, %get3A_429] {strides = array<i32>} : memref<4x200x64xf32, #tpu.memory_space<vmem>>, vector<1x1x16xf32>,
        %get3A_431 = vector.shape_cast %get3A_430 : vector<1x1x16xf32> to vector<16xf32>
        %add3A_432 = arith.addf %add3A_402, %get3A_431 : vector<16xf32>
        %get3A_433 = arith.constant 0 : i32
        %get3A_434 = arith.index_cast %get3A_433 : i32 to index
        %get3A_435 = arith.index_cast %scan3A_418 : i32 to index
        %get3A_436 = arith.constant 32 : index
        %get3A_437 = tpu.vector_load %arg6[%get3A_434, %get3A_435, %get3A_436] {strides = array<i32>} : memref<4x200x64xf32, #tpu.memory_space<vmem>>, vector<1x1x16xf32>,
        %get3A_438 = vector.shape_cast %get3A_437 : vector<1x1x16xf32> to vector<16xf32>
        %add3A_439 = arith.addf %add3A_409, %get3A_438 : vector<16xf32>
        %get3A_440 = arith.constant 0 : i32
        %get3A_441 = arith.index_cast %get3A_440 : i32 to index
        %get3A_442 = arith.index_cast %scan3A_418 : i32 to index
        %get3A_443 = arith.constant 48 : index
        %get3A_444 = tpu.vector_load %arg6[%get3A_441, %get3A_442, %get3A_443] {strides = array<i32>} : memref<4x200x64xf32, #tpu.memory_space<vmem>>, vector<1x1x16xf32>,
        %get3A_445 = vector.shape_cast %get3A_444 : vector<1x1x16xf32> to vector<16xf32>
        %add3A_446 = arith.addf %add3A_416, %get3A_445 : vector<16xf32>
        %scan3A_447 = arith.constant 2 : i32
        %scan3A_448 = arith.addi %scan3A_385, %scan3A_447 : i32
        %get3A_449 = arith.constant 0 : i32
        %get3A_450 = arith.index_cast %get3A_449 : i32 to index
        %get3A_451 = arith.index_cast %scan3A_448 : i32 to index
        %get3A_452 = arith.constant 0 : index
        %get3A_453 = tpu.vector_load %arg6[%get3A_450, %get3A_451, %get3A_452] {strides = array<i32>} : memref<4x200x64xf32, #tpu.memory_space<vmem>>, vector<1x1x16xf32>,
        %get3A_454 = vector.shape_cast %get3A_453 : vector<1x1x16xf32> to vector<16xf32>
        %add3A_455 = arith.addf %add3A_425, %get3A_454 : vector<16xf32>
        %get3A_456 = arith.constant 0 : i32
        %get3A_457 = arith.index_cast %get3A_456 : i32 to index
        %get3A_458 = arith.index_cast %scan3A_448 : i32 to index
        %get3A_459 = arith.constant 16 : index
        %get3A_460 = tpu.vector_load %arg6[%get3A_457, %get3A_458, %get3A_459] {strides = array<i32>} : memref<4x200x64xf32, #tpu.memory_space<vmem>>, vector<1x1x16xf32>,
        %get3A_461 = vector.shape_cast %get3A_460 : vector<1x1x16xf32> to vector<16xf32>
        %add3A_462 = arith.addf %add3A_432, %get3A_461 : vector<16xf32>
        %get3A_463 = arith.constant 0 : i32
        %get3A_464 = arith.index_cast %get3A_463 : i32 to index
        %get3A_465 = arith.index_cast %scan3A_448 : i32 to index
        %get3A_466 = arith.constant 32 : index
        %get3A_467 = tpu.vector_load %arg6[%get3A_464, %get3A_465, %get3A_466] {strides = array<i32>} : memref<4x200x64xf32, #tpu.memory_space<vmem>>, vector<1x1x16xf32>,
        %get3A_468 = vector.shape_cast %get3A_467 : vector<1x1x16xf32> to vector<16xf32>
        %add3A_469 = arith.addf %add3A_439, %get3A_468 : vector<16xf32>
        %get3A_470 = arith.constant 0 : i32
        %get3A_471 = arith.index_cast %get3A_470 : i32 to index
        %get3A_472 = arith.index_cast %scan3A_448 : i32 to index
        %get3A_473 = arith.constant 48 : index
        %get3A_474 = tpu.vector_load %arg6[%get3A_471, %get3A_472, %get3A_473] {strides = array<i32>} : memref<4x200x64xf32, #tpu.memory_space<vmem>>, vector<1x1x16xf32>,
        %get3A_475 = vector.shape_cast %get3A_474 : vector<1x1x16xf32> to vector<16xf32>
        %add3A_476 = arith.addf %add3A_446, %get3A_475 : vector<16xf32>
        %scan3A_477 = arith.constant 3 : i32
        %scan3A_478 = arith.addi %scan3A_385, %scan3A_477 : i32
        %get3A_479 = arith.constant 0 : i32
        %get3A_480 = arith.index_cast %get3A_479 : i32 to index
        %get3A_481 = arith.index_cast %scan3A_478 : i32 to index
        %get3A_482 = arith.constant 0 : index
        %get3A_483 = tpu.vector_load %arg6[%get3A_480, %get3A_481, %get3A_482] {strides = array<i32>} : memref<4x200x64xf32, #tpu.memory_space<vmem>>, vector<1x1x16xf32>,
        %get3A_484 = vector.shape_cast %get3A_483 : vector<1x1x16xf32> to vector<16xf32>
        %add3A_485 = arith.addf %add3A_455, %get3A_484 : vector<16xf32>
        %get3A_486 = arith.constant 0 : i32
        %get3A_487 = arith.index_cast %get3A_486 : i32 to index
        %get3A_488 = arith.index_cast %scan3A_478 : i32 to index
        %get3A_489 = arith.constant 16 : index
        %get3A_490 = tpu.vector_load %arg6[%get3A_487, %get3A_488, %get3A_489] {strides = array<i32>} : memref<4x200x64xf32, #tpu.memory_space<vmem>>, vector<1x1x16xf32>,
        %get3A_491 = vector.shape_cast %get3A_490 : vector<1x1x16xf32> to vector<16xf32>
        %add3A_492 = arith.addf %add3A_462, %get3A_491 : vector<16xf32>
        %get3A_493 = arith.constant 0 : i32
        %get3A_494 = arith.index_cast %get3A_493 : i32 to index
        %get3A_495 = arith.index_cast %scan3A_478 : i32 to index
        %get3A_496 = arith.constant 32 : index
        %get3A_497 = tpu.vector_load %arg6[%get3A_494, %get3A_495, %get3A_496] {strides = array<i32>} : memref<4x200x64xf32, #tpu.memory_space<vmem>>, vector<1x1x16xf32>,
        %get3A_498 = vector.shape_cast %get3A_497 : vector<1x1x16xf32> to vector<16xf32>
        %add3A_499 = arith.addf %add3A_469, %get3A_498 : vector<16xf32>
        %get3A_500 = arith.constant 0 : i32
        %get3A_501 = arith.index_cast %get3A_500 : i32 to index
        %get3A_502 = arith.index_cast %scan3A_478 : i32 to index
        %get3A_503 = arith.constant 48 : index
        %get3A_504 = tpu.vector_load %arg6[%get3A_501, %get3A_502, %get3A_503] {strides = array<i32>} : memref<4x200x64xf32, #tpu.memory_space<vmem>>, vector<1x1x16xf32>,
        %get3A_505 = vector.shape_cast %get3A_504 : vector<1x1x16xf32> to vector<16xf32>
        %add3A_506 = arith.addf %add3A_476, %get3A_505 : vector<16xf32>
        %scan3A_507 = arith.constant 4 : i32
        %scan3A_508 = arith.addi %scan3A_385, %scan3A_507 : i32
        %get3A_509 = arith.constant 0 : i32
        %get3A_510 = arith.index_cast %get3A_509 : i32 to index
        %get3A_511 = arith.index_cast %scan3A_508 : i32 to index
        %get3A_512 = arith.constant 0 : index
        %get3A_513 = tpu.vector_load %arg6[%get3A_510, %get3A_511, %get3A_512] {strides = array<i32>} : memref<4x200x64xf32, #tpu.memory_space<vmem>>, vector<1x1x16xf32>,
        %get3A_514 = vector.shape_cast %get3A_513 : vector<1x1x16xf32> to vector<16xf32>
        %add3A_515 = arith.addf %add3A_485, %get3A_514 : vector<16xf32>
        %get3A_516 = arith.constant 0 : i32
        %get3A_517 = arith.index_cast %get3A_516 : i32 to index
        %get3A_518 = arith.index_cast %scan3A_508 : i32 to index
        %get3A_519 = arith.constant 16 : index
        %get3A_520 = tpu.vector_load %arg6[%get3A_517, %get3A_518, %get3A_519] {strides = array<i32>} : memref<4x200x64xf32, #tpu.memory_space<vmem>>, vector<1x1x16xf32>,
        %get3A_521 = vector.shape_cast %get3A_520 : vector<1x1x16xf32> to vector<16xf32>
        %add3A_522 = arith.addf %add3A_492, %get3A_521 : vector<16xf32>
        %get3A_523 = arith.constant 0 : i32
        %get3A_524 = arith.index_cast %get3A_523 : i32 to index
        %get3A_525 = arith.index_cast %scan3A_508 : i32 to index
        %get3A_526 = arith.constant 32 : index
        %get3A_527 = tpu.vector_load %arg6[%get3A_524, %get3A_525, %get3A_526] {strides = array<i32>} : memref<4x200x64xf32, #tpu.memory_space<vmem>>, vector<1x1x16xf32>,
        %get3A_528 = vector.shape_cast %get3A_527 : vector<1x1x16xf32> to vector<16xf32>
        %add3A_529 = arith.addf %add3A_499, %get3A_528 : vector<16xf32>
        %get3A_530 = arith.constant 0 : i32
        %get3A_531 = arith.index_cast %get3A_530 : i32 to index
        %get3A_532 = arith.index_cast %scan3A_508 : i32 to index
        %get3A_533 = arith.constant 48 : index
        %get3A_534 = tpu.vector_load %arg6[%get3A_531, %get3A_532, %get3A_533] {strides = array<i32>} : memref<4x200x64xf32, #tpu.memory_space<vmem>>, vector<1x1x16xf32>,
        %get3A_535 = vector.shape_cast %get3A_534 : vector<1x1x16xf32> to vector<16xf32>
        %add3A_536 = arith.addf %add3A_506, %get3A_535 : vector<16xf32>
        %scan3A_537 = arith.constant 5 : i32
        %scan3A_538 = arith.addi %scan3A_385, %scan3A_537 : i32
        %get3A_539 = arith.constant 0 : i32
        %get3A_540 = arith.index_cast %get3A_539 : i32 to index
        %get3A_541 = arith.index_cast %scan3A_538 : i32 to index
        %get3A_542 = arith.constant 0 : index
        %get3A_543 = tpu.vector_load %arg6[%get3A_540, %get3A_541, %get3A_542] {strides = array<i32>} : memref<4x200x64xf32, #tpu.memory_space<vmem>>, vector<1x1x16xf32>,
        %get3A_544 = vector.shape_cast %get3A_543 : vector<1x1x16xf32> to vector<16xf32>
        %add3A_545 = arith.addf %add3A_515, %get3A_544 : vector<16xf32>
        %get3A_546 = arith.constant 0 : i32
        %get3A_547 = arith.index_cast %get3A_546 : i32 to index
        %get3A_548 = arith.index_cast %scan3A_538 : i32 to index
        %get3A_549 = arith.constant 16 : index
        %get3A_550 = tpu.vector_load %arg6[%get3A_547, %get3A_548, %get3A_549] {strides = array<i32>} : memref<4x200x64xf32, #tpu.memory_space<vmem>>, vector<1x1x16xf32>,
        %get3A_551 = vector.shape_cast %get3A_550 : vector<1x1x16xf32> to vector<16xf32>
        %add3A_552 = arith.addf %add3A_522, %get3A_551 : vector<16xf32>
        %get3A_553 = arith.constant 0 : i32
        %get3A_554 = arith.index_cast %get3A_553 : i32 to index
        %get3A_555 = arith.index_cast %scan3A_538 : i32 to index
        %get3A_556 = arith.constant 32 : index
        %get3A_557 = tpu.vector_load %arg6[%get3A_554, %get3A_555, %get3A_556] {strides = array<i32>} : memref<4x200x64xf32, #tpu.memory_space<vmem>>, vector<1x1x16xf32>,
        %get3A_558 = vector.shape_cast %get3A_557 : vector<1x1x16xf32> to vector<16xf32>
        %add3A_559 = arith.addf %add3A_529, %get3A_558 : vector<16xf32>
        %get3A_560 = arith.constant 0 : i32
        %get3A_561 = arith.index_cast %get3A_560 : i32 to index
        %get3A_562 = arith.index_cast %scan3A_538 : i32 to index
        %get3A_563 = arith.constant 48 : index
        %get3A_564 = tpu.vector_load %arg6[%get3A_561, %get3A_562, %get3A_563] {strides = array<i32>} : memref<4x200x64xf32, #tpu.memory_space<vmem>>, vector<1x1x16xf32>,
        %get3A_565 = vector.shape_cast %get3A_564 : vector<1x1x16xf32> to vector<16xf32>
        %add3A_566 = arith.addf %add3A_536, %get3A_565 : vector<16xf32>
        %scan3A_567 = arith.constant 6 : i32
        %scan3A_568 = arith.addi %scan3A_385, %scan3A_567 : i32
        %get3A_569 = arith.constant 0 : i32
        %get3A_570 = arith.index_cast %get3A_569 : i32 to index
        %get3A_571 = arith.index_cast %scan3A_568 : i32 to index
        %get3A_572 = arith.constant 0 : index
        %get3A_573 = tpu.vector_load %arg6[%get3A_570, %get3A_571, %get3A_572] {strides = array<i32>} : memref<4x200x64xf32, #tpu.memory_space<vmem>>, vector<1x1x16xf32>,
        %get3A_574 = vector.shape_cast %get3A_573 : vector<1x1x16xf32> to vector<16xf32>
        %add3A_575 = arith.addf %add3A_545, %get3A_574 : vector<16xf32>
        %get3A_576 = arith.constant 0 : i32
        %get3A_577 = arith.index_cast %get3A_576 : i32 to index
        %get3A_578 = arith.index_cast %scan3A_568 : i32 to index
        %get3A_579 = arith.constant 16 : index
        %get3A_580 = tpu.vector_load %arg6[%get3A_577, %get3A_578, %get3A_579] {strides = array<i32>} : memref<4x200x64xf32, #tpu.memory_space<vmem>>, vector<1x1x16xf32>,
        %get3A_581 = vector.shape_cast %get3A_580 : vector<1x1x16xf32> to vector<16xf32>
        %add3A_582 = arith.addf %add3A_552, %get3A_581 : vector<16xf32>
        %get3A_583 = arith.constant 0 : i32
        %get3A_584 = arith.index_cast %get3A_583 : i32 to index
        %get3A_585 = arith.index_cast %scan3A_568 : i32 to index
        %get3A_586 = arith.constant 32 : index
        %get3A_587 = tpu.vector_load %arg6[%get3A_584, %get3A_585, %get3A_586] {strides = array<i32>} : memref<4x200x64xf32, #tpu.memory_space<vmem>>, vector<1x1x16xf32>,
        %get3A_588 = vector.shape_cast %get3A_587 : vector<1x1x16xf32> to vector<16xf32>
        %add3A_589 = arith.addf %add3A_559, %get3A_588 : vector<16xf32>
        %get3A_590 = arith.constant 0 : i32
        %get3A_591 = arith.index_cast %get3A_590 : i32 to index
        %get3A_592 = arith.index_cast %scan3A_568 : i32 to index
        %get3A_593 = arith.constant 48 : index
        %get3A_594 = tpu.vector_load %arg6[%get3A_591, %get3A_592, %get3A_593] {strides = array<i32>} : memref<4x200x64xf32, #tpu.memory_space<vmem>>, vector<1x1x16xf32>,
        %get3A_595 = vector.shape_cast %get3A_594 : vector<1x1x16xf32> to vector<16xf32>
        %add3A_596 = arith.addf %add3A_566, %get3A_595 : vector<16xf32>
        %scan3A_597 = arith.constant 7 : i32
        %scan3A_598 = arith.addi %scan3A_385, %scan3A_597 : i32
        %get3A_599 = arith.constant 0 : i32
        %get3A_600 = arith.index_cast %get3A_599 : i32 to index
        %get3A_601 = arith.index_cast %scan3A_598 : i32 to index
        %get3A_602 = arith.constant 0 : index
        %get3A_603 = tpu.vector_load %arg6[%get3A_600, %get3A_601, %get3A_602] {strides = array<i32>} : memref<4x200x64xf32, #tpu.memory_space<vmem>>, vector<1x1x16xf32>,
        %get3A_604 = vector.shape_cast %get3A_603 : vector<1x1x16xf32> to vector<16xf32>
        %add3A_605 = arith.addf %add3A_575, %get3A_604 : vector<16xf32>
        %get3A_606 = arith.constant 0 : i32
        %get3A_607 = arith.index_cast %get3A_606 : i32 to index
        %get3A_608 = arith.index_cast %scan3A_598 : i32 to index
        %get3A_609 = arith.constant 16 : index
        %get3A_610 = tpu.vector_load %arg6[%get3A_607, %get3A_608, %get3A_609] {strides = array<i32>} : memref<4x200x64xf32, #tpu.memory_space<vmem>>, vector<1x1x16xf32>,
        %get3A_611 = vector.shape_cast %get3A_610 : vector<1x1x16xf32> to vector<16xf32>
        %add3A_612 = arith.addf %add3A_582, %get3A_611 : vector<16xf32>
        %get3A_613 = arith.constant 0 : i32
        %get3A_614 = arith.index_cast %get3A_613 : i32 to index
        %get3A_615 = arith.index_cast %scan3A_598 : i32 to index
        %get3A_616 = arith.constant 32 : index
        %get3A_617 = tpu.vector_load %arg6[%get3A_614, %get3A_615, %get3A_616] {strides = array<i32>} : memref<4x200x64xf32, #tpu.memory_space<vmem>>, vector<1x1x16xf32>,
        %get3A_618 = vector.shape_cast %get3A_617 : vector<1x1x16xf32> to vector<16xf32>
        %add3A_619 = arith.addf %add3A_589, %get3A_618 : vector<16xf32>
        %get3A_620 = arith.constant 0 : i32
        %get3A_621 = arith.index_cast %get3A_620 : i32 to index
        %get3A_622 = arith.index_cast %scan3A_598 : i32 to index
        %get3A_623 = arith.constant 48 : index
        %get3A_624 = tpu.vector_load %arg6[%get3A_621, %get3A_622, %get3A_623] {strides = array<i32>} : memref<4x200x64xf32, #tpu.memory_space<vmem>>, vector<1x1x16xf32>,
        %get3A_625 = vector.shape_cast %get3A_624 : vector<1x1x16xf32> to vector<16xf32>
        %add3A_626 = arith.addf %add3A_596, %get3A_625 : vector<16xf32>
        scf.yield %add3A_605, %add3A_612, %add3A_619, %add3A_626 : vector<16xf32>, vector<16xf32>, vector<16xf32>, vector<16xf32>
      }
      %scan3A_152 = arith.constant 200 : i32
      %swap3A = arith.index_cast %add3A_139 : i32 to index
      %swap3A_153 = arith.constant 0 : index
      %swap3A_154 = tpu.vector_load %arg7[%swap3A, %swap3A_153] {strides = array<i32>} : memref<128x64xf32, #tpu.memory_space<vmem>>, vector<1x16xf32>,
      %swap3A_155 = vector.shape_cast %swap3A_154 : vector<1x16xf32> to vector<16xf32>
      %swap3A_156 = vector.shape_cast %scan3A_151#0 : vector<16xf32> to vector<1x16xf32>
      tpu.vector_store %arg7[%swap3A, %swap3A_153], %swap3A_156 {strides = array<i32>} : memref<128x64xf32, #tpu.memory_space<vmem>>, vector<1x16xf32>,
      %swap3A_157 = arith.index_cast %add3A_139 : i32 to index
      %swap3A_158 = arith.constant 16 : index
      %swap3A_159 = tpu.vector_load %arg7[%swap3A_157, %swap3A_158] {strides = array<i32>} : memref<128x64xf32, #tpu.memory_space<vmem>>, vector<1x16xf32>,
      %swap3A_160 = vector.shape_cast %swap3A_159 : vector<1x16xf32> to vector<16xf32>
      %swap3A_161 = vector.shape_cast %scan3A_151#1 : vector<16xf32> to vector<1x16xf32>
      tpu.vector_store %arg7[%swap3A_157, %swap3A_158], %swap3A_161 {strides = array<i32>} : memref<128x64xf32, #tpu.memory_space<vmem>>, vector<1x16xf32>,
      %swap3A_162 = arith.index_cast %add3A_139 : i32 to index
      %swap3A_163 = arith.constant 32 : index
      %swap3A_164 = tpu.vector_load %arg7[%swap3A_162, %swap3A_163] {strides = array<i32>} : memref<128x64xf32, #tpu.memory_space<vmem>>, vector<1x16xf32>,
      %swap3A_165 = vector.shape_cast %swap3A_164 : vector<1x16xf32> to vector<16xf32>
      %swap3A_166 = vector.shape_cast %scan3A_151#2 : vector<16xf32> to vector<1x16xf32>
      tpu.vector_store %arg7[%swap3A_162, %swap3A_163], %swap3A_166 {strides = array<i32>} : memref<128x64xf32, #tpu.memory_space<vmem>>, vector<1x16xf32>,
      %swap3A_167 = arith.index_cast %add3A_139 : i32 to index
      %swap3A_168 = arith.constant 48 : index
      %swap3A_169 = tpu.vector_load %arg7[%swap3A_167, %swap3A_168] {strides = array<i32>} : memref<128x64xf32, #tpu.memory_space<vmem>>, vector<1x16xf32>,
      %swap3A_170 = vector.shape_cast %swap3A_169 : vector<1x16xf32> to vector<16xf32>
      %swap3A_171 = vector.shape_cast %scan3A_151#3 : vector<16xf32> to vector<1x16xf32>
      tpu.vector_store %arg7[%swap3A_167, %swap3A_168], %swap3A_171 {strides = array<i32>} : memref<128x64xf32, #tpu.memory_space<vmem>>, vector<1x16xf32>,
      %add3A_172 = arith.constant 0 : i32
      %add3A_173 = arith.addi %add3A_113, %add3A_172 : i32
      %add3A_174 = arith.constant 4 : i32
      %add3A_175 = arith.addi %add3A_173, %add3A_174 : i32
      %lt3A = arith.constant 128 : i32
      %lt3A_176 = arith.cmpi slt, %add3A_175, %lt3A : i32
      %convert_element_type3A = arith.extui %lt3A_176 : i1 to i32
      %cond3A = arith.constant 0 : i32
      %cond3A_177 = arith.cmpi ne, %convert_element_type3A, %cond3A : i32
      scf.if %cond3A_177 {
        %add3A_385 = arith.constant 0 : i32
        %add3A_386 = arith.addi %add3A_113, %add3A_385 : i32
        %add3A_387 = arith.constant 4 : i32
        %add3A_388 = arith.addi %add3A_386, %add3A_387 : i32
        %dma_start3A_389 = arith.constant 0 : i32
        %dma_start3A_390 = arith.constant 0 : i32
        %dma_start3A_391 = arith.constant 0 : i32
        %dma_start3A_392 = tpu.memref_slice %arg6[%dma_start3A_389, %dma_start3A_390, %dma_start3A_391] : memref<4x200x64xf32, #tpu.memory_space<vmem>> -> memref<1x104x64xf32, #tpu.memory_space<vmem>>
        %dma_start3A_393 = tpu.memref_squeeze %dma_start3A_392 : memref<1x104x64xf32, #tpu.memory_space<vmem>> -> memref<104x64xf32, #tpu.memory_space<vmem>>
        %dma_start3A_394 = arith.constant 0 : i32
        %dma_start3A_395 = tpu.memref_slice %arg5[%add3A_388, %dma_start3A_394] : memref<128x200xi32, #tpu.memory_space<vmem>> -> memref<1x104xi32, #tpu.memory_space<vmem>>
        %dma_start3A_396 = tpu.memref_squeeze %dma_start3A_395 : memref<1x104xi32, #tpu.memory_space<vmem>> -> memref<104xi32, #tpu.memory_space<vmem>>
        %dma_start3A_397 = arith.constant 0 : i32
        %dma_start3A_398 = arith.constant 0 : i32
        %dma_start3A_399 = tpu.memref_slice %arg3[%dma_start3A_397, %dma_start3A_398] : memref<100001x64xf32, #tpu.memory_space<hbm>> -> memref<100001x64xf32, #tpu.memory_space<hbm>>
        tpu.enqueue_indirect_dma source(%dma_start3A_399 : memref<100001x64xf32, #tpu.memory_space<hbm>>) target(%dma_start3A_393 : memref<104x64xf32, #tpu.memory_space<vmem>>) offsets(%dma_start3A_396 : memref<104xi32, #tpu.memory_space<vmem>>) semaphore(%arg9 : memref<!tpu.dma_semaphore, #tpu.memory_space<semaphore_mem>>)
        %dma_start3A_400 = arith.constant 0 : i32
        %dma_start3A_401 = arith.constant 104 : i32
        %dma_start3A_402 = arith.constant 0 : i32
        %dma_start3A_403 = tpu.memref_slice %arg6[%dma_start3A_400, %dma_start3A_401, %dma_start3A_402] : memref<4x200x64xf32, #tpu.memory_space<vmem>> -> memref<1x96x64xf32, #tpu.memory_space<vmem>>
        %dma_start3A_404 = tpu.memref_squeeze %dma_start3A_403 : memref<1x96x64xf32, #tpu.memory_space<vmem>> -> memref<96x64xf32, #tpu.memory_space<vmem>>
        %dma_start3A_405 = arith.constant 104 : i32
        %dma_start3A_406 = tpu.memref_slice %arg5[%add3A_388, %dma_start3A_405] : memref<128x200xi32, #tpu.memory_space<vmem>> -> memref<1x96xi32, #tpu.memory_space<vmem>>
        %dma_start3A_407 = tpu.memref_squeeze %dma_start3A_406 : memref<1x96xi32, #tpu.memory_space<vmem>> -> memref<96xi32, #tpu.memory_space<vmem>>
        %dma_start3A_408 = arith.constant 0 : i32
        %dma_start3A_409 = arith.constant 0 : i32
        %dma_start3A_410 = tpu.memref_slice %arg3[%dma_start3A_408, %dma_start3A_409] : memref<100001x64xf32, #tpu.memory_space<hbm>> -> memref<100001x64xf32, #tpu.memory_space<hbm>>
        tpu.enqueue_indirect_dma source(%dma_start3A_410 : memref<100001x64xf32, #tpu.memory_space<hbm>>) target(%dma_start3A_404 : memref<96x64xf32, #tpu.memory_space<vmem>>) offsets(%dma_start3A_407 : memref<96xi32, #tpu.memory_space<vmem>>) semaphore(%arg9 : memref<!tpu.dma_semaphore, #tpu.memory_space<semaphore_mem>>)
      } else {
      }
      %dma_wait3A_178 = arith.constant 0 : i32
      %dma_wait3A_179 = arith.constant 1 : i32
      %dma_wait3A_180 = arith.constant 0 : i32
      %dma_wait3A_181 = arith.constant 0 : i32
      %dma_wait3A_182 = tpu.memref_slice %arg6[%dma_wait3A_179, %dma_wait3A_180, %dma_wait3A_181] : memref<4x200x64xf32, #tpu.memory_space<vmem>> -> memref<1x104x64xf32, #tpu.memory_space<vmem>>
      %dma_wait3A_183 = tpu.memref_squeeze %dma_wait3A_182 : memref<1x104x64xf32, #tpu.memory_space<vmem>> -> memref<104x64xf32, #tpu.memory_space<vmem>>
      %dma_wait3A_184 = arith.constant 0 : i32
      %dma_wait3A_185 = tpu.memref_slice %arg5[%dma_wait3A_178, %dma_wait3A_184] : memref<128x200xi32, #tpu.memory_space<vmem>> -> memref<1x104xi32, #tpu.memory_space<vmem>>
      %dma_wait3A_186 = tpu.memref_squeeze %dma_wait3A_185 : memref<1x104xi32, #tpu.memory_space<vmem>> -> memref<104xi32, #tpu.memory_space<vmem>>
      %dma_wait3A_187 = arith.constant 0 : i32
      %dma_wait3A_188 = arith.constant 0 : i32
      %dma_wait3A_189 = tpu.memref_slice %arg3[%dma_wait3A_187, %dma_wait3A_188] : memref<100001x64xf32, #tpu.memory_space<hbm>> -> memref<100001x64xf32, #tpu.memory_space<hbm>>
      tpu.wait_indirect_dma semaphore(%arg10 : memref<!tpu.dma_semaphore, #tpu.memory_space<semaphore_mem>>) src(%dma_wait3A_189 : memref<100001x64xf32, #tpu.memory_space<hbm>>) dst(%dma_wait3A_183 : memref<104x64xf32, #tpu.memory_space<vmem>>)
      %dma_wait3A_190 = arith.constant 0 : i32
      %dma_wait3A_191 = arith.constant 1 : i32
      %dma_wait3A_192 = arith.constant 104 : i32
      %dma_wait3A_193 = arith.constant 0 : i32
      %dma_wait3A_194 = tpu.memref_slice %arg6[%dma_wait3A_191, %dma_wait3A_192, %dma_wait3A_193] : memref<4x200x64xf32, #tpu.memory_space<vmem>> -> memref<1x96x64xf32, #tpu.memory_space<vmem>>
      %dma_wait3A_195 = tpu.memref_squeeze %dma_wait3A_194 : memref<1x96x64xf32, #tpu.memory_space<vmem>> -> memref<96x64xf32, #tpu.memory_space<vmem>>
      %dma_wait3A_196 = arith.constant 104 : i32
      %dma_wait3A_197 = tpu.memref_slice %arg5[%dma_wait3A_190, %dma_wait3A_196] : memref<128x200xi32, #tpu.memory_space<vmem>> -> memref<1x96xi32, #tpu.memory_space<vmem>>
      %dma_wait3A_198 = tpu.memref_squeeze %dma_wait3A_197 : memref<1x96xi32, #tpu.memory_space<vmem>> -> memref<96xi32, #tpu.memory_space<vmem>>
      %dma_wait3A_199 = arith.constant 0 : i32
      %dma_wait3A_200 = arith.constant 0 : i32
      %dma_wait3A_201 = tpu.memref_slice %arg3[%dma_wait3A_199, %dma_wait3A_200] : memref<100001x64xf32, #tpu.memory_space<hbm>> -> memref<100001x64xf32, #tpu.memory_space<hbm>>
      tpu.wait_indirect_dma semaphore(%arg10 : memref<!tpu.dma_semaphore, #tpu.memory_space<semaphore_mem>>) src(%dma_wait3A_201 : memref<100001x64xf32, #tpu.memory_space<hbm>>) dst(%dma_wait3A_195 : memref<96x64xf32, #tpu.memory_space<vmem>>)
      %add3A_202 = arith.constant 1 : i32
      %add3A_203 = arith.addi %add3A_113, %add3A_202 : i32
      %broadcast_in_dim3A_204 = arith.constant 0.000000e+00 : f32
      %broadcast_in_dim3A_205 = vector.broadcast %broadcast_in_dim3A_204 : f32 to vector<16xf32>
      %broadcast_in_dim3A_206 = arith.constant 0.000000e+00 : f32
      %broadcast_in_dim3A_207 = vector.broadcast %broadcast_in_dim3A_206 : f32 to vector<16xf32>
      %broadcast_in_dim3A_208 = arith.constant 0.000000e+00 : f32
      %broadcast_in_dim3A_209 = vector.broadcast %broadcast_in_dim3A_208 : f32 to vector<16xf32>
      %broadcast_in_dim3A_210 = arith.constant 0.000000e+00 : f32
      %broadcast_in_dim3A_211 = vector.broadcast %broadcast_in_dim3A_210 : f32 to vector<16xf32>
      %scan3A_212 = arith.constant 0 : i32
      %scan3A_213 = arith.constant 200 : i32
      %scan3A_214 = arith.addi %scan3A_212, %scan3A_213 : i32
      %scan3A_215 = arith.constant 8 : i32
      %scan3A_216:4 = scf.for %scan3A_385 = %scan3A_212 to %scan3A_214 step %scan3A_215 iter_args(%scan3A_386 = %broadcast_in_dim3A_205, %scan3A_387 = %broadcast_in_dim3A_207, %scan3A_388 = %broadcast_in_dim3A_209, %scan3A_389 = %broadcast_in_dim3A_211) -> (vector<16xf32>, vector<16xf32>, vector<16xf32>, vector<16xf32>)  : i32 {
        %get3A = arith.constant 1 : i32
        %get3A_390 = arith.index_cast %get3A : i32 to index
        %get3A_391 = arith.index_cast %scan3A_385 : i32 to index
        %get3A_392 = arith.constant 0 : index
        %get3A_393 = tpu.vector_load %arg6[%get3A_390, %get3A_391, %get3A_392] {strides = array<i32>} : memref<4x200x64xf32, #tpu.memory_space<vmem>>, vector<1x1x16xf32>,
        %get3A_394 = vector.shape_cast %get3A_393 : vector<1x1x16xf32> to vector<16xf32>
        %add3A_395 = arith.addf %scan3A_386, %get3A_394 : vector<16xf32>
        %get3A_396 = arith.constant 1 : i32
        %get3A_397 = arith.index_cast %get3A_396 : i32 to index
        %get3A_398 = arith.index_cast %scan3A_385 : i32 to index
        %get3A_399 = arith.constant 16 : index
        %get3A_400 = tpu.vector_load %arg6[%get3A_397, %get3A_398, %get3A_399] {strides = array<i32>} : memref<4x200x64xf32, #tpu.memory_space<vmem>>, vector<1x1x16xf32>,
        %get3A_401 = vector.shape_cast %get3A_400 : vector<1x1x16xf32> to vector<16xf32>
        %add3A_402 = arith.addf %scan3A_387, %get3A_401 : vector<16xf32>
        %get3A_403 = arith.constant 1 : i32
        %get3A_404 = arith.index_cast %get3A_403 : i32 to index
        %get3A_405 = arith.index_cast %scan3A_385 : i32 to index
        %get3A_406 = arith.constant 32 : index
        %get3A_407 = tpu.vector_load %arg6[%get3A_404, %get3A_405, %get3A_406] {strides = array<i32>} : memref<4x200x64xf32, #tpu.memory_space<vmem>>, vector<1x1x16xf32>,
        %get3A_408 = vector.shape_cast %get3A_407 : vector<1x1x16xf32> to vector<16xf32>
        %add3A_409 = arith.addf %scan3A_388, %get3A_408 : vector<16xf32>
        %get3A_410 = arith.constant 1 : i32
        %get3A_411 = arith.index_cast %get3A_410 : i32 to index
        %get3A_412 = arith.index_cast %scan3A_385 : i32 to index
        %get3A_413 = arith.constant 48 : index
        %get3A_414 = tpu.vector_load %arg6[%get3A_411, %get3A_412, %get3A_413] {strides = array<i32>} : memref<4x200x64xf32, #tpu.memory_space<vmem>>, vector<1x1x16xf32>,
        %get3A_415 = vector.shape_cast %get3A_414 : vector<1x1x16xf32> to vector<16xf32>
        %add3A_416 = arith.addf %scan3A_389, %get3A_415 : vector<16xf32>
        %scan3A_417 = arith.constant 1 : i32
        %scan3A_418 = arith.addi %scan3A_385, %scan3A_417 : i32
        %get3A_419 = arith.constant 1 : i32
        %get3A_420 = arith.index_cast %get3A_419 : i32 to index
        %get3A_421 = arith.index_cast %scan3A_418 : i32 to index
        %get3A_422 = arith.constant 0 : index
        %get3A_423 = tpu.vector_load %arg6[%get3A_420, %get3A_421, %get3A_422] {strides = array<i32>} : memref<4x200x64xf32, #tpu.memory_space<vmem>>, vector<1x1x16xf32>,
        %get3A_424 = vector.shape_cast %get3A_423 : vector<1x1x16xf32> to vector<16xf32>
        %add3A_425 = arith.addf %add3A_395, %get3A_424 : vector<16xf32>
        %get3A_426 = arith.constant 1 : i32
        %get3A_427 = arith.index_cast %get3A_426 : i32 to index
        %get3A_428 = arith.index_cast %scan3A_418 : i32 to index
        %get3A_429 = arith.constant 16 : index
        %get3A_430 = tpu.vector_load %arg6[%get3A_427, %get3A_428, %get3A_429] {strides = array<i32>} : memref<4x200x64xf32, #tpu.memory_space<vmem>>, vector<1x1x16xf32>,
        %get3A_431 = vector.shape_cast %get3A_430 : vector<1x1x16xf32> to vector<16xf32>
        %add3A_432 = arith.addf %add3A_402, %get3A_431 : vector<16xf32>
        %get3A_433 = arith.constant 1 : i32
        %get3A_434 = arith.index_cast %get3A_433 : i32 to index
        %get3A_435 = arith.index_cast %scan3A_418 : i32 to index
        %get3A_436 = arith.constant 32 : index
        %get3A_437 = tpu.vector_load %arg6[%get3A_434, %get3A_435, %get3A_436] {strides = array<i32>} : memref<4x200x64xf32, #tpu.memory_space<vmem>>, vector<1x1x16xf32>,
        %get3A_438 = vector.shape_cast %get3A_437 : vector<1x1x16xf32> to vector<16xf32>
        %add3A_439 = arith.addf %add3A_409, %get3A_438 : vector<16xf32>
        %get3A_440 = arith.constant 1 : i32
        %get3A_441 = arith.index_cast %get3A_440 : i32 to index
        %get3A_442 = arith.index_cast %scan3A_418 : i32 to index
        %get3A_443 = arith.constant 48 : index
        %get3A_444 = tpu.vector_load %arg6[%get3A_441, %get3A_442, %get3A_443] {strides = array<i32>} : memref<4x200x64xf32, #tpu.memory_space<vmem>>, vector<1x1x16xf32>,
        %get3A_445 = vector.shape_cast %get3A_444 : vector<1x1x16xf32> to vector<16xf32>
        %add3A_446 = arith.addf %add3A_416, %get3A_445 : vector<16xf32>
        %scan3A_447 = arith.constant 2 : i32
        %scan3A_448 = arith.addi %scan3A_385, %scan3A_447 : i32
        %get3A_449 = arith.constant 1 : i32
        %get3A_450 = arith.index_cast %get3A_449 : i32 to index
        %get3A_451 = arith.index_cast %scan3A_448 : i32 to index
        %get3A_452 = arith.constant 0 : index
        %get3A_453 = tpu.vector_load %arg6[%get3A_450, %get3A_451, %get3A_452] {strides = array<i32>} : memref<4x200x64xf32, #tpu.memory_space<vmem>>, vector<1x1x16xf32>,
        %get3A_454 = vector.shape_cast %get3A_453 : vector<1x1x16xf32> to vector<16xf32>
        %add3A_455 = arith.addf %add3A_425, %get3A_454 : vector<16xf32>
        %get3A_456 = arith.constant 1 : i32
        %get3A_457 = arith.index_cast %get3A_456 : i32 to index
        %get3A_458 = arith.index_cast %scan3A_448 : i32 to index
        %get3A_459 = arith.constant 16 : index
        %get3A_460 = tpu.vector_load %arg6[%get3A_457, %get3A_458, %get3A_459] {strides = array<i32>} : memref<4x200x64xf32, #tpu.memory_space<vmem>>, vector<1x1x16xf32>,
        %get3A_461 = vector.shape_cast %get3A_460 : vector<1x1x16xf32> to vector<16xf32>
        %add3A_462 = arith.addf %add3A_432, %get3A_461 : vector<16xf32>
        %get3A_463 = arith.constant 1 : i32
        %get3A_464 = arith.index_cast %get3A_463 : i32 to index
        %get3A_465 = arith.index_cast %scan3A_448 : i32 to index
        %get3A_466 = arith.constant 32 : index
        %get3A_467 = tpu.vector_load %arg6[%get3A_464, %get3A_465, %get3A_466] {strides = array<i32>} : memref<4x200x64xf32, #tpu.memory_space<vmem>>, vector<1x1x16xf32>,
        %get3A_468 = vector.shape_cast %get3A_467 : vector<1x1x16xf32> to vector<16xf32>
        %add3A_469 = arith.addf %add3A_439, %get3A_468 : vector<16xf32>
        %get3A_470 = arith.constant 1 : i32
        %get3A_471 = arith.index_cast %get3A_470 : i32 to index
        %get3A_472 = arith.index_cast %scan3A_448 : i32 to index
        %get3A_473 = arith.constant 48 : index
        %get3A_474 = tpu.vector_load %arg6[%get3A_471, %get3A_472, %get3A_473] {strides = array<i32>} : memref<4x200x64xf32, #tpu.memory_space<vmem>>, vector<1x1x16xf32>,
        %get3A_475 = vector.shape_cast %get3A_474 : vector<1x1x16xf32> to vector<16xf32>
        %add3A_476 = arith.addf %add3A_446, %get3A_475 : vector<16xf32>
        %scan3A_477 = arith.constant 3 : i32
        %scan3A_478 = arith.addi %scan3A_385, %scan3A_477 : i32
        %get3A_479 = arith.constant 1 : i32
        %get3A_480 = arith.index_cast %get3A_479 : i32 to index
        %get3A_481 = arith.index_cast %scan3A_478 : i32 to index
        %get3A_482 = arith.constant 0 : index
        %get3A_483 = tpu.vector_load %arg6[%get3A_480, %get3A_481, %get3A_482] {strides = array<i32>} : memref<4x200x64xf32, #tpu.memory_space<vmem>>, vector<1x1x16xf32>,
        %get3A_484 = vector.shape_cast %get3A_483 : vector<1x1x16xf32> to vector<16xf32>
        %add3A_485 = arith.addf %add3A_455, %get3A_484 : vector<16xf32>
        %get3A_486 = arith.constant 1 : i32
        %get3A_487 = arith.index_cast %get3A_486 : i32 to index
        %get3A_488 = arith.index_cast %scan3A_478 : i32 to index
        %get3A_489 = arith.constant 16 : index
        %get3A_490 = tpu.vector_load %arg6[%get3A_487, %get3A_488, %get3A_489] {strides = array<i32>} : memref<4x200x64xf32, #tpu.memory_space<vmem>>, vector<1x1x16xf32>,
        %get3A_491 = vector.shape_cast %get3A_490 : vector<1x1x16xf32> to vector<16xf32>
        %add3A_492 = arith.addf %add3A_462, %get3A_491 : vector<16xf32>
        %get3A_493 = arith.constant 1 : i32
        %get3A_494 = arith.index_cast %get3A_493 : i32 to index
        %get3A_495 = arith.index_cast %scan3A_478 : i32 to index
        %get3A_496 = arith.constant 32 : index
        %get3A_497 = tpu.vector_load %arg6[%get3A_494, %get3A_495, %get3A_496] {strides = array<i32>} : memref<4x200x64xf32, #tpu.memory_space<vmem>>, vector<1x1x16xf32>,
        %get3A_498 = vector.shape_cast %get3A_497 : vector<1x1x16xf32> to vector<16xf32>
        %add3A_499 = arith.addf %add3A_469, %get3A_498 : vector<16xf32>
        %get3A_500 = arith.constant 1 : i32
        %get3A_501 = arith.index_cast %get3A_500 : i32 to index
        %get3A_502 = arith.index_cast %scan3A_478 : i32 to index
        %get3A_503 = arith.constant 48 : index
        %get3A_504 = tpu.vector_load %arg6[%get3A_501, %get3A_502, %get3A_503] {strides = array<i32>} : memref<4x200x64xf32, #tpu.memory_space<vmem>>, vector<1x1x16xf32>,
        %get3A_505 = vector.shape_cast %get3A_504 : vector<1x1x16xf32> to vector<16xf32>
        %add3A_506 = arith.addf %add3A_476, %get3A_505 : vector<16xf32>
        %scan3A_507 = arith.constant 4 : i32
        %scan3A_508 = arith.addi %scan3A_385, %scan3A_507 : i32
        %get3A_509 = arith.constant 1 : i32
        %get3A_510 = arith.index_cast %get3A_509 : i32 to index
        %get3A_511 = arith.index_cast %scan3A_508 : i32 to index
        %get3A_512 = arith.constant 0 : index
        %get3A_513 = tpu.vector_load %arg6[%get3A_510, %get3A_511, %get3A_512] {strides = array<i32>} : memref<4x200x64xf32, #tpu.memory_space<vmem>>, vector<1x1x16xf32>,
        %get3A_514 = vector.shape_cast %get3A_513 : vector<1x1x16xf32> to vector<16xf32>
        %add3A_515 = arith.addf %add3A_485, %get3A_514 : vector<16xf32>
        %get3A_516 = arith.constant 1 : i32
        %get3A_517 = arith.index_cast %get3A_516 : i32 to index
        %get3A_518 = arith.index_cast %scan3A_508 : i32 to index
        %get3A_519 = arith.constant 16 : index
        %get3A_520 = tpu.vector_load %arg6[%get3A_517, %get3A_518, %get3A_519] {strides = array<i32>} : memref<4x200x64xf32, #tpu.memory_space<vmem>>, vector<1x1x16xf32>,
        %get3A_521 = vector.shape_cast %get3A_520 : vector<1x1x16xf32> to vector<16xf32>
        %add3A_522 = arith.addf %add3A_492, %get3A_521 : vector<16xf32>
        %get3A_523 = arith.constant 1 : i32
        %get3A_524 = arith.index_cast %get3A_523 : i32 to index
        %get3A_525 = arith.index_cast %scan3A_508 : i32 to index
        %get3A_526 = arith.constant 32 : index
        %get3A_527 = tpu.vector_load %arg6[%get3A_524, %get3A_525, %get3A_526] {strides = array<i32>} : memref<4x200x64xf32, #tpu.memory_space<vmem>>, vector<1x1x16xf32>,
        %get3A_528 = vector.shape_cast %get3A_527 : vector<1x1x16xf32> to vector<16xf32>
        %add3A_529 = arith.addf %add3A_499, %get3A_528 : vector<16xf32>
        %get3A_530 = arith.constant 1 : i32
        %get3A_531 = arith.index_cast %get3A_530 : i32 to index
        %get3A_532 = arith.index_cast %scan3A_508 : i32 to index
        %get3A_533 = arith.constant 48 : index
        %get3A_534 = tpu.vector_load %arg6[%get3A_531, %get3A_532, %get3A_533] {strides = array<i32>} : memref<4x200x64xf32, #tpu.memory_space<vmem>>, vector<1x1x16xf32>,
        %get3A_535 = vector.shape_cast %get3A_534 : vector<1x1x16xf32> to vector<16xf32>
        %add3A_536 = arith.addf %add3A_506, %get3A_535 : vector<16xf32>
        %scan3A_537 = arith.constant 5 : i32
        %scan3A_538 = arith.addi %scan3A_385, %scan3A_537 : i32
        %get3A_539 = arith.constant 1 : i32
        %get3A_540 = arith.index_cast %get3A_539 : i32 to index
        %get3A_541 = arith.index_cast %scan3A_538 : i32 to index
        %get3A_542 = arith.constant 0 : index
        %get3A_543 = tpu.vector_load %arg6[%get3A_540, %get3A_541, %get3A_542] {strides = array<i32>} : memref<4x200x64xf32, #tpu.memory_space<vmem>>, vector<1x1x16xf32>,
        %get3A_544 = vector.shape_cast %get3A_543 : vector<1x1x16xf32> to vector<16xf32>
        %add3A_545 = arith.addf %add3A_515, %get3A_544 : vector<16xf32>
        %get3A_546 = arith.constant 1 : i32
        %get3A_547 = arith.index_cast %get3A_546 : i32 to index
        %get3A_548 = arith.index_cast %scan3A_538 : i32 to index
        %get3A_549 = arith.constant 16 : index
        %get3A_550 = tpu.vector_load %arg6[%get3A_547, %get3A_548, %get3A_549] {strides = array<i32>} : memref<4x200x64xf32, #tpu.memory_space<vmem>>, vector<1x1x16xf32>,
        %get3A_551 = vector.shape_cast %get3A_550 : vector<1x1x16xf32> to vector<16xf32>
        %add3A_552 = arith.addf %add3A_522, %get3A_551 : vector<16xf32>
        %get3A_553 = arith.constant 1 : i32
        %get3A_554 = arith.index_cast %get3A_553 : i32 to index
        %get3A_555 = arith.index_cast %scan3A_538 : i32 to index
        %get3A_556 = arith.constant 32 : index
        %get3A_557 = tpu.vector_load %arg6[%get3A_554, %get3A_555, %get3A_556] {strides = array<i32>} : memref<4x200x64xf32, #tpu.memory_space<vmem>>, vector<1x1x16xf32>,
        %get3A_558 = vector.shape_cast %get3A_557 : vector<1x1x16xf32> to vector<16xf32>
        %add3A_559 = arith.addf %add3A_529, %get3A_558 : vector<16xf32>
        %get3A_560 = arith.constant 1 : i32
        %get3A_561 = arith.index_cast %get3A_560 : i32 to index
        %get3A_562 = arith.index_cast %scan3A_538 : i32 to index
        %get3A_563 = arith.constant 48 : index
        %get3A_564 = tpu.vector_load %arg6[%get3A_561, %get3A_562, %get3A_563] {strides = array<i32>} : memref<4x200x64xf32, #tpu.memory_space<vmem>>, vector<1x1x16xf32>,
        %get3A_565 = vector.shape_cast %get3A_564 : vector<1x1x16xf32> to vector<16xf32>
        %add3A_566 = arith.addf %add3A_536, %get3A_565 : vector<16xf32>
        %scan3A_567 = arith.constant 6 : i32
        %scan3A_568 = arith.addi %scan3A_385, %scan3A_567 : i32
        %get3A_569 = arith.constant 1 : i32
        %get3A_570 = arith.index_cast %get3A_569 : i32 to index
        %get3A_571 = arith.index_cast %scan3A_568 : i32 to index
        %get3A_572 = arith.constant 0 : index
        %get3A_573 = tpu.vector_load %arg6[%get3A_570, %get3A_571, %get3A_572] {strides = array<i32>} : memref<4x200x64xf32, #tpu.memory_space<vmem>>, vector<1x1x16xf32>,
        %get3A_574 = vector.shape_cast %get3A_573 : vector<1x1x16xf32> to vector<16xf32>
        %add3A_575 = arith.addf %add3A_545, %get3A_574 : vector<16xf32>
        %get3A_576 = arith.constant 1 : i32
        %get3A_577 = arith.index_cast %get3A_576 : i32 to index
        %get3A_578 = arith.index_cast %scan3A_568 : i32 to index
        %get3A_579 = arith.constant 16 : index
        %get3A_580 = tpu.vector_load %arg6[%get3A_577, %get3A_578, %get3A_579] {strides = array<i32>} : memref<4x200x64xf32, #tpu.memory_space<vmem>>, vector<1x1x16xf32>,
        %get3A_581 = vector.shape_cast %get3A_580 : vector<1x1x16xf32> to vector<16xf32>
        %add3A_582 = arith.addf %add3A_552, %get3A_581 : vector<16xf32>
        %get3A_583 = arith.constant 1 : i32
        %get3A_584 = arith.index_cast %get3A_583 : i32 to index
        %get3A_585 = arith.index_cast %scan3A_568 : i32 to index
        %get3A_586 = arith.constant 32 : index
        %get3A_587 = tpu.vector_load %arg6[%get3A_584, %get3A_585, %get3A_586] {strides = array<i32>} : memref<4x200x64xf32, #tpu.memory_space<vmem>>, vector<1x1x16xf32>,
        %get3A_588 = vector.shape_cast %get3A_587 : vector<1x1x16xf32> to vector<16xf32>
        %add3A_589 = arith.addf %add3A_559, %get3A_588 : vector<16xf32>
        %get3A_590 = arith.constant 1 : i32
        %get3A_591 = arith.index_cast %get3A_590 : i32 to index
        %get3A_592 = arith.index_cast %scan3A_568 : i32 to index
        %get3A_593 = arith.constant 48 : index
        %get3A_594 = tpu.vector_load %arg6[%get3A_591, %get3A_592, %get3A_593] {strides = array<i32>} : memref<4x200x64xf32, #tpu.memory_space<vmem>>, vector<1x1x16xf32>,
        %get3A_595 = vector.shape_cast %get3A_594 : vector<1x1x16xf32> to vector<16xf32>
        %add3A_596 = arith.addf %add3A_566, %get3A_595 : vector<16xf32>
        %scan3A_597 = arith.constant 7 : i32
        %scan3A_598 = arith.addi %scan3A_385, %scan3A_597 : i32
        %get3A_599 = arith.constant 1 : i32
        %get3A_600 = arith.index_cast %get3A_599 : i32 to index
        %get3A_601 = arith.index_cast %scan3A_598 : i32 to index
        %get3A_602 = arith.constant 0 : index
        %get3A_603 = tpu.vector_load %arg6[%get3A_600, %get3A_601, %get3A_602] {strides = array<i32>} : memref<4x200x64xf32, #tpu.memory_space<vmem>>, vector<1x1x16xf32>,
        %get3A_604 = vector.shape_cast %get3A_603 : vector<1x1x16xf32> to vector<16xf32>
        %add3A_605 = arith.addf %add3A_575, %get3A_604 : vector<16xf32>
        %get3A_606 = arith.constant 1 : i32
        %get3A_607 = arith.index_cast %get3A_606 : i32 to index
        %get3A_608 = arith.index_cast %scan3A_598 : i32 to index
        %get3A_609 = arith.constant 16 : index
        %get3A_610 = tpu.vector_load %arg6[%get3A_607, %get3A_608, %get3A_609] {strides = array<i32>} : memref<4x200x64xf32, #tpu.memory_space<vmem>>, vector<1x1x16xf32>,
        %get3A_611 = vector.shape_cast %get3A_610 : vector<1x1x16xf32> to vector<16xf32>
        %add3A_612 = arith.addf %add3A_582, %get3A_611 : vector<16xf32>
        %get3A_613 = arith.constant 1 : i32
        %get3A_614 = arith.index_cast %get3A_613 : i32 to index
        %get3A_615 = arith.index_cast %scan3A_598 : i32 to index
        %get3A_616 = arith.constant 32 : index
        %get3A_617 = tpu.vector_load %arg6[%get3A_614, %get3A_615, %get3A_616] {strides = array<i32>} : memref<4x200x64xf32, #tpu.memory_space<vmem>>, vector<1x1x16xf32>,
        %get3A_618 = vector.shape_cast %get3A_617 : vector<1x1x16xf32> to vector<16xf32>
        %add3A_619 = arith.addf %add3A_589, %get3A_618 : vector<16xf32>
        %get3A_620 = arith.constant 1 : i32
        %get3A_621 = arith.index_cast %get3A_620 : i32 to index
        %get3A_622 = arith.index_cast %scan3A_598 : i32 to index
        %get3A_623 = arith.constant 48 : index
        %get3A_624 = tpu.vector_load %arg6[%get3A_621, %get3A_622, %get3A_623] {strides = array<i32>} : memref<4x200x64xf32, #tpu.memory_space<vmem>>, vector<1x1x16xf32>,
        %get3A_625 = vector.shape_cast %get3A_624 : vector<1x1x16xf32> to vector<16xf32>
        %add3A_626 = arith.addf %add3A_596, %get3A_625 : vector<16xf32>
        scf.yield %add3A_605, %add3A_612, %add3A_619, %add3A_626 : vector<16xf32>, vector<16xf32>, vector<16xf32>, vector<16xf32>
      }
      %scan3A_217 = arith.constant 200 : i32
      %swap3A_218 = arith.index_cast %add3A_203 : i32 to index
      %swap3A_219 = arith.constant 0 : index
      %swap3A_220 = tpu.vector_load %arg7[%swap3A_218, %swap3A_219] {strides = array<i32>} : memref<128x64xf32, #tpu.memory_space<vmem>>, vector<1x16xf32>,
      %swap3A_221 = vector.shape_cast %swap3A_220 : vector<1x16xf32> to vector<16xf32>
      %swap3A_222 = vector.shape_cast %scan3A_216#0 : vector<16xf32> to vector<1x16xf32>
      tpu.vector_store %arg7[%swap3A_218, %swap3A_219], %swap3A_222 {strides = array<i32>} : memref<128x64xf32, #tpu.memory_space<vmem>>, vector<1x16xf32>,
      %swap3A_223 = arith.index_cast %add3A_203 : i32 to index
      %swap3A_224 = arith.constant 16 : index
      %swap3A_225 = tpu.vector_load %arg7[%swap3A_223, %swap3A_224] {strides = array<i32>} : memref<128x64xf32, #tpu.memory_space<vmem>>, vector<1x16xf32>,
      %swap3A_226 = vector.shape_cast %swap3A_225 : vector<1x16xf32> to vector<16xf32>
      %swap3A_227 = vector.shape_cast %scan3A_216#1 : vector<16xf32> to vector<1x16xf32>
      tpu.vector_store %arg7[%swap3A_223, %swap3A_224], %swap3A_227 {strides = array<i32>} : memref<128x64xf32, #tpu.memory_space<vmem>>, vector<1x16xf32>,
      %swap3A_228 = arith.index_cast %add3A_203 : i32 to index
      %swap3A_229 = arith.constant 32 : index
      %swap3A_230 = tpu.vector_load %arg7[%swap3A_228, %swap3A_229] {strides = array<i32>} : memref<128x64xf32, #tpu.memory_space<vmem>>, vector<1x16xf32>,
      %swap3A_231 = vector.shape_cast %swap3A_230 : vector<1x16xf32> to vector<16xf32>
      %swap3A_232 = vector.shape_cast %scan3A_216#2 : vector<16xf32> to vector<1x16xf32>
      tpu.vector_store %arg7[%swap3A_228, %swap3A_229], %swap3A_232 {strides = array<i32>} : memref<128x64xf32, #tpu.memory_space<vmem>>, vector<1x16xf32>,
      %swap3A_233 = arith.index_cast %add3A_203 : i32 to index
      %swap3A_234 = arith.constant 48 : index
      %swap3A_235 = tpu.vector_load %arg7[%swap3A_233, %swap3A_234] {strides = array<i32>} : memref<128x64xf32, #tpu.memory_space<vmem>>, vector<1x16xf32>,
      %swap3A_236 = vector.shape_cast %swap3A_235 : vector<1x16xf32> to vector<16xf32>
      %swap3A_237 = vector.shape_cast %scan3A_216#3 : vector<16xf32> to vector<1x16xf32>
      tpu.vector_store %arg7[%swap3A_233, %swap3A_234], %swap3A_237 {strides = array<i32>} : memref<128x64xf32, #tpu.memory_space<vmem>>, vector<1x16xf32>,
      %add3A_238 = arith.constant 1 : i32
      %add3A_239 = arith.addi %add3A_113, %add3A_238 : i32
      %add3A_240 = arith.constant 4 : i32
      %add3A_241 = arith.addi %add3A_239, %add3A_240 : i32
      %lt3A_242 = arith.constant 128 : i32
      %lt3A_243 = arith.cmpi slt, %add3A_241, %lt3A_242 : i32
      %convert_element_type3A_244 = arith.extui %lt3A_243 : i1 to i32
      %cond3A_245 = arith.constant 0 : i32
      %cond3A_246 = arith.cmpi ne, %convert_element_type3A_244, %cond3A_245 : i32
      scf.if %cond3A_246 {
        %add3A_385 = arith.constant 1 : i32
        %add3A_386 = arith.addi %add3A_113, %add3A_385 : i32
        %add3A_387 = arith.constant 4 : i32
        %add3A_388 = arith.addi %add3A_386, %add3A_387 : i32
        %dma_start3A_389 = arith.constant 1 : i32
        %dma_start3A_390 = arith.constant 0 : i32
        %dma_start3A_391 = arith.constant 0 : i32
        %dma_start3A_392 = tpu.memref_slice %arg6[%dma_start3A_389, %dma_start3A_390, %dma_start3A_391] : memref<4x200x64xf32, #tpu.memory_space<vmem>> -> memref<1x104x64xf32, #tpu.memory_space<vmem>>
        %dma_start3A_393 = tpu.memref_squeeze %dma_start3A_392 : memref<1x104x64xf32, #tpu.memory_space<vmem>> -> memref<104x64xf32, #tpu.memory_space<vmem>>
        %dma_start3A_394 = arith.constant 0 : i32
        %dma_start3A_395 = tpu.memref_slice %arg5[%add3A_388, %dma_start3A_394] : memref<128x200xi32, #tpu.memory_space<vmem>> -> memref<1x104xi32, #tpu.memory_space<vmem>>
        %dma_start3A_396 = tpu.memref_squeeze %dma_start3A_395 : memref<1x104xi32, #tpu.memory_space<vmem>> -> memref<104xi32, #tpu.memory_space<vmem>>
        %dma_start3A_397 = arith.constant 0 : i32
        %dma_start3A_398 = arith.constant 0 : i32
        %dma_start3A_399 = tpu.memref_slice %arg3[%dma_start3A_397, %dma_start3A_398] : memref<100001x64xf32, #tpu.memory_space<hbm>> -> memref<100001x64xf32, #tpu.memory_space<hbm>>
        tpu.enqueue_indirect_dma source(%dma_start3A_399 : memref<100001x64xf32, #tpu.memory_space<hbm>>) target(%dma_start3A_393 : memref<104x64xf32, #tpu.memory_space<vmem>>) offsets(%dma_start3A_396 : memref<104xi32, #tpu.memory_space<vmem>>) semaphore(%arg10 : memref<!tpu.dma_semaphore, #tpu.memory_space<semaphore_mem>>)
        %dma_start3A_400 = arith.constant 1 : i32
        %dma_start3A_401 = arith.constant 104 : i32
        %dma_start3A_402 = arith.constant 0 : i32
        %dma_start3A_403 = tpu.memref_slice %arg6[%dma_start3A_400, %dma_start3A_401, %dma_start3A_402] : memref<4x200x64xf32, #tpu.memory_space<vmem>> -> memref<1x96x64xf32, #tpu.memory_space<vmem>>
        %dma_start3A_404 = tpu.memref_squeeze %dma_start3A_403 : memref<1x96x64xf32, #tpu.memory_space<vmem>> -> memref<96x64xf32, #tpu.memory_space<vmem>>
        %dma_start3A_405 = arith.constant 104 : i32
        %dma_start3A_406 = tpu.memref_slice %arg5[%add3A_388, %dma_start3A_405] : memref<128x200xi32, #tpu.memory_space<vmem>> -> memref<1x96xi32, #tpu.memory_space<vmem>>
        %dma_start3A_407 = tpu.memref_squeeze %dma_start3A_406 : memref<1x96xi32, #tpu.memory_space<vmem>> -> memref<96xi32, #tpu.memory_space<vmem>>
        %dma_start3A_408 = arith.constant 0 : i32
        %dma_start3A_409 = arith.constant 0 : i32
        %dma_start3A_410 = tpu.memref_slice %arg3[%dma_start3A_408, %dma_start3A_409] : memref<100001x64xf32, #tpu.memory_space<hbm>> -> memref<100001x64xf32, #tpu.memory_space<hbm>>
        tpu.enqueue_indirect_dma source(%dma_start3A_410 : memref<100001x64xf32, #tpu.memory_space<hbm>>) target(%dma_start3A_404 : memref<96x64xf32, #tpu.memory_space<vmem>>) offsets(%dma_start3A_407 : memref<96xi32, #tpu.memory_space<vmem>>) semaphore(%arg10 : memref<!tpu.dma_semaphore, #tpu.memory_space<semaphore_mem>>)
      } else {
      }
      %dma_wait3A_247 = arith.constant 0 : i32
      %dma_wait3A_248 = arith.constant 2 : i32
      %dma_wait3A_249 = arith.constant 0 : i32
      %dma_wait3A_250 = arith.constant 0 : i32
      %dma_wait3A_251 = tpu.memref_slice %arg6[%dma_wait3A_248, %dma_wait3A_249, %dma_wait3A_250] : memref<4x200x64xf32, #tpu.memory_space<vmem>> -> memref<1x104x64xf32, #tpu.memory_space<vmem>>
      %dma_wait3A_252 = tpu.memref_squeeze %dma_wait3A_251 : memref<1x104x64xf32, #tpu.memory_space<vmem>> -> memref<104x64xf32, #tpu.memory_space<vmem>>
      %dma_wait3A_253 = arith.constant 0 : i32
      %dma_wait3A_254 = tpu.memref_slice %arg5[%dma_wait3A_247, %dma_wait3A_253] : memref<128x200xi32, #tpu.memory_space<vmem>> -> memref<1x104xi32, #tpu.memory_space<vmem>>
      %dma_wait3A_255 = tpu.memref_squeeze %dma_wait3A_254 : memref<1x104xi32, #tpu.memory_space<vmem>> -> memref<104xi32, #tpu.memory_space<vmem>>
      %dma_wait3A_256 = arith.constant 0 : i32
      %dma_wait3A_257 = arith.constant 0 : i32
      %dma_wait3A_258 = tpu.memref_slice %arg3[%dma_wait3A_256, %dma_wait3A_257] : memref<100001x64xf32, #tpu.memory_space<hbm>> -> memref<100001x64xf32, #tpu.memory_space<hbm>>
      tpu.wait_indirect_dma semaphore(%arg11 : memref<!tpu.dma_semaphore, #tpu.memory_space<semaphore_mem>>) src(%dma_wait3A_258 : memref<100001x64xf32, #tpu.memory_space<hbm>>) dst(%dma_wait3A_252 : memref<104x64xf32, #tpu.memory_space<vmem>>)
      %dma_wait3A_259 = arith.constant 0 : i32
      %dma_wait3A_260 = arith.constant 2 : i32
      %dma_wait3A_261 = arith.constant 104 : i32
      %dma_wait3A_262 = arith.constant 0 : i32
      %dma_wait3A_263 = tpu.memref_slice %arg6[%dma_wait3A_260, %dma_wait3A_261, %dma_wait3A_262] : memref<4x200x64xf32, #tpu.memory_space<vmem>> -> memref<1x96x64xf32, #tpu.memory_space<vmem>>
      %dma_wait3A_264 = tpu.memref_squeeze %dma_wait3A_263 : memref<1x96x64xf32, #tpu.memory_space<vmem>> -> memref<96x64xf32, #tpu.memory_space<vmem>>
      %dma_wait3A_265 = arith.constant 104 : i32
      %dma_wait3A_266 = tpu.memref_slice %arg5[%dma_wait3A_259, %dma_wait3A_265] : memref<128x200xi32, #tpu.memory_space<vmem>> -> memref<1x96xi32, #tpu.memory_space<vmem>>
      %dma_wait3A_267 = tpu.memref_squeeze %dma_wait3A_266 : memref<1x96xi32, #tpu.memory_space<vmem>> -> memref<96xi32, #tpu.memory_space<vmem>>
      %dma_wait3A_268 = arith.constant 0 : i32
      %dma_wait3A_269 = arith.constant 0 : i32
      %dma_wait3A_270 = tpu.memref_slice %arg3[%dma_wait3A_268, %dma_wait3A_269] : memref<100001x64xf32, #tpu.memory_space<hbm>> -> memref<100001x64xf32, #tpu.memory_space<hbm>>
      tpu.wait_indirect_dma semaphore(%arg11 : memref<!tpu.dma_semaphore, #tpu.memory_space<semaphore_mem>>) src(%dma_wait3A_270 : memref<100001x64xf32, #tpu.memory_space<hbm>>) dst(%dma_wait3A_264 : memref<96x64xf32, #tpu.memory_space<vmem>>)
      %add3A_271 = arith.constant 2 : i32
      %add3A_272 = arith.addi %add3A_113, %add3A_271 : i32
      %broadcast_in_dim3A_273 = arith.constant 0.000000e+00 : f32
      %broadcast_in_dim3A_274 = vector.broadcast %broadcast_in_dim3A_273 : f32 to vector<16xf32>
      %broadcast_in_dim3A_275 = arith.constant 0.000000e+00 : f32
      %broadcast_in_dim3A_276 = vector.broadcast %broadcast_in_dim3A_275 : f32 to vector<16xf32>
      %broadcast_in_dim3A_277 = arith.constant 0.000000e+00 : f32
      %broadcast_in_dim3A_278 = vector.broadcast %broadcast_in_dim3A_277 : f32 to vector<16xf32>
      %broadcast_in_dim3A_279 = arith.constant 0.000000e+00 : f32
      %broadcast_in_dim3A_280 = vector.broadcast %broadcast_in_dim3A_279 : f32 to vector<16xf32>
      %scan3A_281 = arith.constant 0 : i32
      %scan3A_282 = arith.constant 200 : i32
      %scan3A_283 = arith.addi %scan3A_281, %scan3A_282 : i32
      %scan3A_284 = arith.constant 8 : i32
      %scan3A_285:4 = scf.for %scan3A_385 = %scan3A_281 to %scan3A_283 step %scan3A_284 iter_args(%scan3A_386 = %broadcast_in_dim3A_274, %scan3A_387 = %broadcast_in_dim3A_276, %scan3A_388 = %broadcast_in_dim3A_278, %scan3A_389 = %broadcast_in_dim3A_280) -> (vector<16xf32>, vector<16xf32>, vector<16xf32>, vector<16xf32>)  : i32 {
        %get3A = arith.constant 2 : i32
        %get3A_390 = arith.index_cast %get3A : i32 to index
        %get3A_391 = arith.index_cast %scan3A_385 : i32 to index
        %get3A_392 = arith.constant 0 : index
        %get3A_393 = tpu.vector_load %arg6[%get3A_390, %get3A_391, %get3A_392] {strides = array<i32>} : memref<4x200x64xf32, #tpu.memory_space<vmem>>, vector<1x1x16xf32>,
        %get3A_394 = vector.shape_cast %get3A_393 : vector<1x1x16xf32> to vector<16xf32>
        %add3A_395 = arith.addf %scan3A_386, %get3A_394 : vector<16xf32>
        %get3A_396 = arith.constant 2 : i32
        %get3A_397 = arith.index_cast %get3A_396 : i32 to index
        %get3A_398 = arith.index_cast %scan3A_385 : i32 to index
        %get3A_399 = arith.constant 16 : index
        %get3A_400 = tpu.vector_load %arg6[%get3A_397, %get3A_398, %get3A_399] {strides = array<i32>} : memref<4x200x64xf32, #tpu.memory_space<vmem>>, vector<1x1x16xf32>,
        %get3A_401 = vector.shape_cast %get3A_400 : vector<1x1x16xf32> to vector<16xf32>
        %add3A_402 = arith.addf %scan3A_387, %get3A_401 : vector<16xf32>
        %get3A_403 = arith.constant 2 : i32
        %get3A_404 = arith.index_cast %get3A_403 : i32 to index
        %get3A_405 = arith.index_cast %scan3A_385 : i32 to index
        %get3A_406 = arith.constant 32 : index
        %get3A_407 = tpu.vector_load %arg6[%get3A_404, %get3A_405, %get3A_406] {strides = array<i32>} : memref<4x200x64xf32, #tpu.memory_space<vmem>>, vector<1x1x16xf32>,
        %get3A_408 = vector.shape_cast %get3A_407 : vector<1x1x16xf32> to vector<16xf32>
        %add3A_409 = arith.addf %scan3A_388, %get3A_408 : vector<16xf32>
        %get3A_410 = arith.constant 2 : i32
        %get3A_411 = arith.index_cast %get3A_410 : i32 to index
        %get3A_412 = arith.index_cast %scan3A_385 : i32 to index
        %get3A_413 = arith.constant 48 : index
        %get3A_414 = tpu.vector_load %arg6[%get3A_411, %get3A_412, %get3A_413] {strides = array<i32>} : memref<4x200x64xf32, #tpu.memory_space<vmem>>, vector<1x1x16xf32>,
        %get3A_415 = vector.shape_cast %get3A_414 : vector<1x1x16xf32> to vector<16xf32>
        %add3A_416 = arith.addf %scan3A_389, %get3A_415 : vector<16xf32>
        %scan3A_417 = arith.constant 1 : i32
        %scan3A_418 = arith.addi %scan3A_385, %scan3A_417 : i32
        %get3A_419 = arith.constant 2 : i32
        %get3A_420 = arith.index_cast %get3A_419 : i32 to index
        %get3A_421 = arith.index_cast %scan3A_418 : i32 to index
        %get3A_422 = arith.constant 0 : index
        %get3A_423 = tpu.vector_load %arg6[%get3A_420, %get3A_421, %get3A_422] {strides = array<i32>} : memref<4x200x64xf32, #tpu.memory_space<vmem>>, vector<1x1x16xf32>,
        %get3A_424 = vector.shape_cast %get3A_423 : vector<1x1x16xf32> to vector<16xf32>
        %add3A_425 = arith.addf %add3A_395, %get3A_424 : vector<16xf32>
        %get3A_426 = arith.constant 2 : i32
        %get3A_427 = arith.index_cast %get3A_426 : i32 to index
        %get3A_428 = arith.index_cast %scan3A_418 : i32 to index
        %get3A_429 = arith.constant 16 : index
        %get3A_430 = tpu.vector_load %arg6[%get3A_427, %get3A_428, %get3A_429] {strides = array<i32>} : memref<4x200x64xf32, #tpu.memory_space<vmem>>, vector<1x1x16xf32>,
        %get3A_431 = vector.shape_cast %get3A_430 : vector<1x1x16xf32> to vector<16xf32>
        %add3A_432 = arith.addf %add3A_402, %get3A_431 : vector<16xf32>
        %get3A_433 = arith.constant 2 : i32
        %get3A_434 = arith.index_cast %get3A_433 : i32 to index
        %get3A_435 = arith.index_cast %scan3A_418 : i32 to index
        %get3A_436 = arith.constant 32 : index
        %get3A_437 = tpu.vector_load %arg6[%get3A_434, %get3A_435, %get3A_436] {strides = array<i32>} : memref<4x200x64xf32, #tpu.memory_space<vmem>>, vector<1x1x16xf32>,
        %get3A_438 = vector.shape_cast %get3A_437 : vector<1x1x16xf32> to vector<16xf32>
        %add3A_439 = arith.addf %add3A_409, %get3A_438 : vector<16xf32>
        %get3A_440 = arith.constant 2 : i32
        %get3A_441 = arith.index_cast %get3A_440 : i32 to index
        %get3A_442 = arith.index_cast %scan3A_418 : i32 to index
        %get3A_443 = arith.constant 48 : index
        %get3A_444 = tpu.vector_load %arg6[%get3A_441, %get3A_442, %get3A_443] {strides = array<i32>} : memref<4x200x64xf32, #tpu.memory_space<vmem>>, vector<1x1x16xf32>,
        %get3A_445 = vector.shape_cast %get3A_444 : vector<1x1x16xf32> to vector<16xf32>
        %add3A_446 = arith.addf %add3A_416, %get3A_445 : vector<16xf32>
        %scan3A_447 = arith.constant 2 : i32
        %scan3A_448 = arith.addi %scan3A_385, %scan3A_447 : i32
        %get3A_449 = arith.constant 2 : i32
        %get3A_450 = arith.index_cast %get3A_449 : i32 to index
        %get3A_451 = arith.index_cast %scan3A_448 : i32 to index
        %get3A_452 = arith.constant 0 : index
        %get3A_453 = tpu.vector_load %arg6[%get3A_450, %get3A_451, %get3A_452] {strides = array<i32>} : memref<4x200x64xf32, #tpu.memory_space<vmem>>, vector<1x1x16xf32>,
        %get3A_454 = vector.shape_cast %get3A_453 : vector<1x1x16xf32> to vector<16xf32>
        %add3A_455 = arith.addf %add3A_425, %get3A_454 : vector<16xf32>
        %get3A_456 = arith.constant 2 : i32
        %get3A_457 = arith.index_cast %get3A_456 : i32 to index
        %get3A_458 = arith.index_cast %scan3A_448 : i32 to index
        %get3A_459 = arith.constant 16 : index
        %get3A_460 = tpu.vector_load %arg6[%get3A_457, %get3A_458, %get3A_459] {strides = array<i32>} : memref<4x200x64xf32, #tpu.memory_space<vmem>>, vector<1x1x16xf32>,
        %get3A_461 = vector.shape_cast %get3A_460 : vector<1x1x16xf32> to vector<16xf32>
        %add3A_462 = arith.addf %add3A_432, %get3A_461 : vector<16xf32>
        %get3A_463 = arith.constant 2 : i32
        %get3A_464 = arith.index_cast %get3A_463 : i32 to index
        %get3A_465 = arith.index_cast %scan3A_448 : i32 to index
        %get3A_466 = arith.constant 32 : index
        %get3A_467 = tpu.vector_load %arg6[%get3A_464, %get3A_465, %get3A_466] {strides = array<i32>} : memref<4x200x64xf32, #tpu.memory_space<vmem>>, vector<1x1x16xf32>,
        %get3A_468 = vector.shape_cast %get3A_467 : vector<1x1x16xf32> to vector<16xf32>
        %add3A_469 = arith.addf %add3A_439, %get3A_468 : vector<16xf32>
        %get3A_470 = arith.constant 2 : i32
        %get3A_471 = arith.index_cast %get3A_470 : i32 to index
        %get3A_472 = arith.index_cast %scan3A_448 : i32 to index
        %get3A_473 = arith.constant 48 : index
        %get3A_474 = tpu.vector_load %arg6[%get3A_471, %get3A_472, %get3A_473] {strides = array<i32>} : memref<4x200x64xf32, #tpu.memory_space<vmem>>, vector<1x1x16xf32>,
        %get3A_475 = vector.shape_cast %get3A_474 : vector<1x1x16xf32> to vector<16xf32>
        %add3A_476 = arith.addf %add3A_446, %get3A_475 : vector<16xf32>
        %scan3A_477 = arith.constant 3 : i32
        %scan3A_478 = arith.addi %scan3A_385, %scan3A_477 : i32
        %get3A_479 = arith.constant 2 : i32
        %get3A_480 = arith.index_cast %get3A_479 : i32 to index
        %get3A_481 = arith.index_cast %scan3A_478 : i32 to index
        %get3A_482 = arith.constant 0 : index
        %get3A_483 = tpu.vector_load %arg6[%get3A_480, %get3A_481, %get3A_482] {strides = array<i32>} : memref<4x200x64xf32, #tpu.memory_space<vmem>>, vector<1x1x16xf32>,
        %get3A_484 = vector.shape_cast %get3A_483 : vector<1x1x16xf32> to vector<16xf32>
        %add3A_485 = arith.addf %add3A_455, %get3A_484 : vector<16xf32>
        %get3A_486 = arith.constant 2 : i32
        %get3A_487 = arith.index_cast %get3A_486 : i32 to index
        %get3A_488 = arith.index_cast %scan3A_478 : i32 to index
        %get3A_489 = arith.constant 16 : index
        %get3A_490 = tpu.vector_load %arg6[%get3A_487, %get3A_488, %get3A_489] {strides = array<i32>} : memref<4x200x64xf32, #tpu.memory_space<vmem>>, vector<1x1x16xf32>,
        %get3A_491 = vector.shape_cast %get3A_490 : vector<1x1x16xf32> to vector<16xf32>
        %add3A_492 = arith.addf %add3A_462, %get3A_491 : vector<16xf32>
        %get3A_493 = arith.constant 2 : i32
        %get3A_494 = arith.index_cast %get3A_493 : i32 to index
        %get3A_495 = arith.index_cast %scan3A_478 : i32 to index
        %get3A_496 = arith.constant 32 : index
        %get3A_497 = tpu.vector_load %arg6[%get3A_494, %get3A_495, %get3A_496] {strides = array<i32>} : memref<4x200x64xf32, #tpu.memory_space<vmem>>, vector<1x1x16xf32>,
        %get3A_498 = vector.shape_cast %get3A_497 : vector<1x1x16xf32> to vector<16xf32>
        %add3A_499 = arith.addf %add3A_469, %get3A_498 : vector<16xf32>
        %get3A_500 = arith.constant 2 : i32
        %get3A_501 = arith.index_cast %get3A_500 : i32 to index
        %get3A_502 = arith.index_cast %scan3A_478 : i32 to index
        %get3A_503 = arith.constant 48 : index
        %get3A_504 = tpu.vector_load %arg6[%get3A_501, %get3A_502, %get3A_503] {strides = array<i32>} : memref<4x200x64xf32, #tpu.memory_space<vmem>>, vector<1x1x16xf32>,
        %get3A_505 = vector.shape_cast %get3A_504 : vector<1x1x16xf32> to vector<16xf32>
        %add3A_506 = arith.addf %add3A_476, %get3A_505 : vector<16xf32>
        %scan3A_507 = arith.constant 4 : i32
        %scan3A_508 = arith.addi %scan3A_385, %scan3A_507 : i32
        %get3A_509 = arith.constant 2 : i32
        %get3A_510 = arith.index_cast %get3A_509 : i32 to index
        %get3A_511 = arith.index_cast %scan3A_508 : i32 to index
        %get3A_512 = arith.constant 0 : index
        %get3A_513 = tpu.vector_load %arg6[%get3A_510, %get3A_511, %get3A_512] {strides = array<i32>} : memref<4x200x64xf32, #tpu.memory_space<vmem>>, vector<1x1x16xf32>,
        %get3A_514 = vector.shape_cast %get3A_513 : vector<1x1x16xf32> to vector<16xf32>
        %add3A_515 = arith.addf %add3A_485, %get3A_514 : vector<16xf32>
        %get3A_516 = arith.constant 2 : i32
        %get3A_517 = arith.index_cast %get3A_516 : i32 to index
        %get3A_518 = arith.index_cast %scan3A_508 : i32 to index
        %get3A_519 = arith.constant 16 : index
        %get3A_520 = tpu.vector_load %arg6[%get3A_517, %get3A_518, %get3A_519] {strides = array<i32>} : memref<4x200x64xf32, #tpu.memory_space<vmem>>, vector<1x1x16xf32>,
        %get3A_521 = vector.shape_cast %get3A_520 : vector<1x1x16xf32> to vector<16xf32>
        %add3A_522 = arith.addf %add3A_492, %get3A_521 : vector<16xf32>
        %get3A_523 = arith.constant 2 : i32
        %get3A_524 = arith.index_cast %get3A_523 : i32 to index
        %get3A_525 = arith.index_cast %scan3A_508 : i32 to index
        %get3A_526 = arith.constant 32 : index
        %get3A_527 = tpu.vector_load %arg6[%get3A_524, %get3A_525, %get3A_526] {strides = array<i32>} : memref<4x200x64xf32, #tpu.memory_space<vmem>>, vector<1x1x16xf32>,
        %get3A_528 = vector.shape_cast %get3A_527 : vector<1x1x16xf32> to vector<16xf32>
        %add3A_529 = arith.addf %add3A_499, %get3A_528 : vector<16xf32>
        %get3A_530 = arith.constant 2 : i32
        %get3A_531 = arith.index_cast %get3A_530 : i32 to index
        %get3A_532 = arith.index_cast %scan3A_508 : i32 to index
        %get3A_533 = arith.constant 48 : index
        %get3A_534 = tpu.vector_load %arg6[%get3A_531, %get3A_532, %get3A_533] {strides = array<i32>} : memref<4x200x64xf32, #tpu.memory_space<vmem>>, vector<1x1x16xf32>,
        %get3A_535 = vector.shape_cast %get3A_534 : vector<1x1x16xf32> to vector<16xf32>
        %add3A_536 = arith.addf %add3A_506, %get3A_535 : vector<16xf32>
        %scan3A_537 = arith.constant 5 : i32
        %scan3A_538 = arith.addi %scan3A_385, %scan3A_537 : i32
        %get3A_539 = arith.constant 2 : i32
        %get3A_540 = arith.index_cast %get3A_539 : i32 to index
        %get3A_541 = arith.index_cast %scan3A_538 : i32 to index
        %get3A_542 = arith.constant 0 : index
        %get3A_543 = tpu.vector_load %arg6[%get3A_540, %get3A_541, %get3A_542] {strides = array<i32>} : memref<4x200x64xf32, #tpu.memory_space<vmem>>, vector<1x1x16xf32>,
        %get3A_544 = vector.shape_cast %get3A_543 : vector<1x1x16xf32> to vector<16xf32>
        %add3A_545 = arith.addf %add3A_515, %get3A_544 : vector<16xf32>
        %get3A_546 = arith.constant 2 : i32
        %get3A_547 = arith.index_cast %get3A_546 : i32 to index
        %get3A_548 = arith.index_cast %scan3A_538 : i32 to index
        %get3A_549 = arith.constant 16 : index
        %get3A_550 = tpu.vector_load %arg6[%get3A_547, %get3A_548, %get3A_549] {strides = array<i32>} : memref<4x200x64xf32, #tpu.memory_space<vmem>>, vector<1x1x16xf32>,
        %get3A_551 = vector.shape_cast %get3A_550 : vector<1x1x16xf32> to vector<16xf32>
        %add3A_552 = arith.addf %add3A_522, %get3A_551 : vector<16xf32>
        %get3A_553 = arith.constant 2 : i32
        %get3A_554 = arith.index_cast %get3A_553 : i32 to index
        %get3A_555 = arith.index_cast %scan3A_538 : i32 to index
        %get3A_556 = arith.constant 32 : index
        %get3A_557 = tpu.vector_load %arg6[%get3A_554, %get3A_555, %get3A_556] {strides = array<i32>} : memref<4x200x64xf32, #tpu.memory_space<vmem>>, vector<1x1x16xf32>,
        %get3A_558 = vector.shape_cast %get3A_557 : vector<1x1x16xf32> to vector<16xf32>
        %add3A_559 = arith.addf %add3A_529, %get3A_558 : vector<16xf32>
        %get3A_560 = arith.constant 2 : i32
        %get3A_561 = arith.index_cast %get3A_560 : i32 to index
        %get3A_562 = arith.index_cast %scan3A_538 : i32 to index
        %get3A_563 = arith.constant 48 : index
        %get3A_564 = tpu.vector_load %arg6[%get3A_561, %get3A_562, %get3A_563] {strides = array<i32>} : memref<4x200x64xf32, #tpu.memory_space<vmem>>, vector<1x1x16xf32>,
        %get3A_565 = vector.shape_cast %get3A_564 : vector<1x1x16xf32> to vector<16xf32>
        %add3A_566 = arith.addf %add3A_536, %get3A_565 : vector<16xf32>
        %scan3A_567 = arith.constant 6 : i32
        %scan3A_568 = arith.addi %scan3A_385, %scan3A_567 : i32
        %get3A_569 = arith.constant 2 : i32
        %get3A_570 = arith.index_cast %get3A_569 : i32 to index
        %get3A_571 = arith.index_cast %scan3A_568 : i32 to index
        %get3A_572 = arith.constant 0 : index
        %get3A_573 = tpu.vector_load %arg6[%get3A_570, %get3A_571, %get3A_572] {strides = array<i32>} : memref<4x200x64xf32, #tpu.memory_space<vmem>>, vector<1x1x16xf32>,
        %get3A_574 = vector.shape_cast %get3A_573 : vector<1x1x16xf32> to vector<16xf32>
        %add3A_575 = arith.addf %add3A_545, %get3A_574 : vector<16xf32>
        %get3A_576 = arith.constant 2 : i32
        %get3A_577 = arith.index_cast %get3A_576 : i32 to index
        %get3A_578 = arith.index_cast %scan3A_568 : i32 to index
        %get3A_579 = arith.constant 16 : index
        %get3A_580 = tpu.vector_load %arg6[%get3A_577, %get3A_578, %get3A_579] {strides = array<i32>} : memref<4x200x64xf32, #tpu.memory_space<vmem>>, vector<1x1x16xf32>,
        %get3A_581 = vector.shape_cast %get3A_580 : vector<1x1x16xf32> to vector<16xf32>
        %add3A_582 = arith.addf %add3A_552, %get3A_581 : vector<16xf32>
        %get3A_583 = arith.constant 2 : i32
        %get3A_584 = arith.index_cast %get3A_583 : i32 to index
        %get3A_585 = arith.index_cast %scan3A_568 : i32 to index
        %get3A_586 = arith.constant 32 : index
        %get3A_587 = tpu.vector_load %arg6[%get3A_584, %get3A_585, %get3A_586] {strides = array<i32>} : memref<4x200x64xf32, #tpu.memory_space<vmem>>, vector<1x1x16xf32>,
        %get3A_588 = vector.shape_cast %get3A_587 : vector<1x1x16xf32> to vector<16xf32>
        %add3A_589 = arith.addf %add3A_559, %get3A_588 : vector<16xf32>
        %get3A_590 = arith.constant 2 : i32
        %get3A_591 = arith.index_cast %get3A_590 : i32 to index
        %get3A_592 = arith.index_cast %scan3A_568 : i32 to index
        %get3A_593 = arith.constant 48 : index
        %get3A_594 = tpu.vector_load %arg6[%get3A_591, %get3A_592, %get3A_593] {strides = array<i32>} : memref<4x200x64xf32, #tpu.memory_space<vmem>>, vector<1x1x16xf32>,
        %get3A_595 = vector.shape_cast %get3A_594 : vector<1x1x16xf32> to vector<16xf32>
        %add3A_596 = arith.addf %add3A_566, %get3A_595 : vector<16xf32>
        %scan3A_597 = arith.constant 7 : i32
        %scan3A_598 = arith.addi %scan3A_385, %scan3A_597 : i32
        %get3A_599 = arith.constant 2 : i32
        %get3A_600 = arith.index_cast %get3A_599 : i32 to index
        %get3A_601 = arith.index_cast %scan3A_598 : i32 to index
        %get3A_602 = arith.constant 0 : index
        %get3A_603 = tpu.vector_load %arg6[%get3A_600, %get3A_601, %get3A_602] {strides = array<i32>} : memref<4x200x64xf32, #tpu.memory_space<vmem>>, vector<1x1x16xf32>,
        %get3A_604 = vector.shape_cast %get3A_603 : vector<1x1x16xf32> to vector<16xf32>
        %add3A_605 = arith.addf %add3A_575, %get3A_604 : vector<16xf32>
        %get3A_606 = arith.constant 2 : i32
        %get3A_607 = arith.index_cast %get3A_606 : i32 to index
        %get3A_608 = arith.index_cast %scan3A_598 : i32 to index
        %get3A_609 = arith.constant 16 : index
        %get3A_610 = tpu.vector_load %arg6[%get3A_607, %get3A_608, %get3A_609] {strides = array<i32>} : memref<4x200x64xf32, #tpu.memory_space<vmem>>, vector<1x1x16xf32>,
        %get3A_611 = vector.shape_cast %get3A_610 : vector<1x1x16xf32> to vector<16xf32>
        %add3A_612 = arith.addf %add3A_582, %get3A_611 : vector<16xf32>
        %get3A_613 = arith.constant 2 : i32
        %get3A_614 = arith.index_cast %get3A_613 : i32 to index
        %get3A_615 = arith.index_cast %scan3A_598 : i32 to index
        %get3A_616 = arith.constant 32 : index
        %get3A_617 = tpu.vector_load %arg6[%get3A_614, %get3A_615, %get3A_616] {strides = array<i32>} : memref<4x200x64xf32, #tpu.memory_space<vmem>>, vector<1x1x16xf32>,
        %get3A_618 = vector.shape_cast %get3A_617 : vector<1x1x16xf32> to vector<16xf32>
        %add3A_619 = arith.addf %add3A_589, %get3A_618 : vector<16xf32>
        %get3A_620 = arith.constant 2 : i32
        %get3A_621 = arith.index_cast %get3A_620 : i32 to index
        %get3A_622 = arith.index_cast %scan3A_598 : i32 to index
        %get3A_623 = arith.constant 48 : index
        %get3A_624 = tpu.vector_load %arg6[%get3A_621, %get3A_622, %get3A_623] {strides = array<i32>} : memref<4x200x64xf32, #tpu.memory_space<vmem>>, vector<1x1x16xf32>,
        %get3A_625 = vector.shape_cast %get3A_624 : vector<1x1x16xf32> to vector<16xf32>
        %add3A_626 = arith.addf %add3A_596, %get3A_625 : vector<16xf32>
        scf.yield %add3A_605, %add3A_612, %add3A_619, %add3A_626 : vector<16xf32>, vector<16xf32>, vector<16xf32>, vector<16xf32>
      }
      %scan3A_286 = arith.constant 200 : i32
      %swap3A_287 = arith.index_cast %add3A_272 : i32 to index
      %swap3A_288 = arith.constant 0 : index
      %swap3A_289 = tpu.vector_load %arg7[%swap3A_287, %swap3A_288] {strides = array<i32>} : memref<128x64xf32, #tpu.memory_space<vmem>>, vector<1x16xf32>,
      %swap3A_290 = vector.shape_cast %swap3A_289 : vector<1x16xf32> to vector<16xf32>
      %swap3A_291 = vector.shape_cast %scan3A_285#0 : vector<16xf32> to vector<1x16xf32>
      tpu.vector_store %arg7[%swap3A_287, %swap3A_288], %swap3A_291 {strides = array<i32>} : memref<128x64xf32, #tpu.memory_space<vmem>>, vector<1x16xf32>,
      %swap3A_292 = arith.index_cast %add3A_272 : i32 to index
      %swap3A_293 = arith.constant 16 : index
      %swap3A_294 = tpu.vector_load %arg7[%swap3A_292, %swap3A_293] {strides = array<i32>} : memref<128x64xf32, #tpu.memory_space<vmem>>, vector<1x16xf32>,
      %swap3A_295 = vector.shape_cast %swap3A_294 : vector<1x16xf32> to vector<16xf32>
      %swap3A_296 = vector.shape_cast %scan3A_285#1 : vector<16xf32> to vector<1x16xf32>
      tpu.vector_store %arg7[%swap3A_292, %swap3A_293], %swap3A_296 {strides = array<i32>} : memref<128x64xf32, #tpu.memory_space<vmem>>, vector<1x16xf32>,
      %swap3A_297 = arith.index_cast %add3A_272 : i32 to index
      %swap3A_298 = arith.constant 32 : index
      %swap3A_299 = tpu.vector_load %arg7[%swap3A_297, %swap3A_298] {strides = array<i32>} : memref<128x64xf32, #tpu.memory_space<vmem>>, vector<1x16xf32>,
      %swap3A_300 = vector.shape_cast %swap3A_299 : vector<1x16xf32> to vector<16xf32>
      %swap3A_301 = vector.shape_cast %scan3A_285#2 : vector<16xf32> to vector<1x16xf32>
      tpu.vector_store %arg7[%swap3A_297, %swap3A_298], %swap3A_301 {strides = array<i32>} : memref<128x64xf32, #tpu.memory_space<vmem>>, vector<1x16xf32>,
      %swap3A_302 = arith.index_cast %add3A_272 : i32 to index
      %swap3A_303 = arith.constant 48 : index
      %swap3A_304 = tpu.vector_load %arg7[%swap3A_302, %swap3A_303] {strides = array<i32>} : memref<128x64xf32, #tpu.memory_space<vmem>>, vector<1x16xf32>,
      %swap3A_305 = vector.shape_cast %swap3A_304 : vector<1x16xf32> to vector<16xf32>
      %swap3A_306 = vector.shape_cast %scan3A_285#3 : vector<16xf32> to vector<1x16xf32>
      tpu.vector_store %arg7[%swap3A_302, %swap3A_303], %swap3A_306 {strides = array<i32>} : memref<128x64xf32, #tpu.memory_space<vmem>>, vector<1x16xf32>,
      %add3A_307 = arith.constant 2 : i32
      %add3A_308 = arith.addi %add3A_113, %add3A_307 : i32
      %add3A_309 = arith.constant 4 : i32
      %add3A_310 = arith.addi %add3A_308, %add3A_309 : i32
      %lt3A_311 = arith.constant 128 : i32
      %lt3A_312 = arith.cmpi slt, %add3A_310, %lt3A_311 : i32
      %convert_element_type3A_313 = arith.extui %lt3A_312 : i1 to i32
      %cond3A_314 = arith.constant 0 : i32
      %cond3A_315 = arith.cmpi ne, %convert_element_type3A_313, %cond3A_314 : i32
      scf.if %cond3A_315 {
        %add3A_385 = arith.constant 2 : i32
        %add3A_386 = arith.addi %add3A_113, %add3A_385 : i32
        %add3A_387 = arith.constant 4 : i32
        %add3A_388 = arith.addi %add3A_386, %add3A_387 : i32
        %dma_start3A_389 = arith.constant 2 : i32
        %dma_start3A_390 = arith.constant 0 : i32
        %dma_start3A_391 = arith.constant 0 : i32
        %dma_start3A_392 = tpu.memref_slice %arg6[%dma_start3A_389, %dma_start3A_390, %dma_start3A_391] : memref<4x200x64xf32, #tpu.memory_space<vmem>> -> memref<1x104x64xf32, #tpu.memory_space<vmem>>
        %dma_start3A_393 = tpu.memref_squeeze %dma_start3A_392 : memref<1x104x64xf32, #tpu.memory_space<vmem>> -> memref<104x64xf32, #tpu.memory_space<vmem>>
        %dma_start3A_394 = arith.constant 0 : i32
        %dma_start3A_395 = tpu.memref_slice %arg5[%add3A_388, %dma_start3A_394] : memref<128x200xi32, #tpu.memory_space<vmem>> -> memref<1x104xi32, #tpu.memory_space<vmem>>
        %dma_start3A_396 = tpu.memref_squeeze %dma_start3A_395 : memref<1x104xi32, #tpu.memory_space<vmem>> -> memref<104xi32, #tpu.memory_space<vmem>>
        %dma_start3A_397 = arith.constant 0 : i32
        %dma_start3A_398 = arith.constant 0 : i32
        %dma_start3A_399 = tpu.memref_slice %arg3[%dma_start3A_397, %dma_start3A_398] : memref<100001x64xf32, #tpu.memory_space<hbm>> -> memref<100001x64xf32, #tpu.memory_space<hbm>>
        tpu.enqueue_indirect_dma source(%dma_start3A_399 : memref<100001x64xf32, #tpu.memory_space<hbm>>) target(%dma_start3A_393 : memref<104x64xf32, #tpu.memory_space<vmem>>) offsets(%dma_start3A_396 : memref<104xi32, #tpu.memory_space<vmem>>) semaphore(%arg11 : memref<!tpu.dma_semaphore, #tpu.memory_space<semaphore_mem>>)
        %dma_start3A_400 = arith.constant 2 : i32
        %dma_start3A_401 = arith.constant 104 : i32
        %dma_start3A_402 = arith.constant 0 : i32
        %dma_start3A_403 = tpu.memref_slice %arg6[%dma_start3A_400, %dma_start3A_401, %dma_start3A_402] : memref<4x200x64xf32, #tpu.memory_space<vmem>> -> memref<1x96x64xf32, #tpu.memory_space<vmem>>
        %dma_start3A_404 = tpu.memref_squeeze %dma_start3A_403 : memref<1x96x64xf32, #tpu.memory_space<vmem>> -> memref<96x64xf32, #tpu.memory_space<vmem>>
        %dma_start3A_405 = arith.constant 104 : i32
        %dma_start3A_406 = tpu.memref_slice %arg5[%add3A_388, %dma_start3A_405] : memref<128x200xi32, #tpu.memory_space<vmem>> -> memref<1x96xi32, #tpu.memory_space<vmem>>
        %dma_start3A_407 = tpu.memref_squeeze %dma_start3A_406 : memref<1x96xi32, #tpu.memory_space<vmem>> -> memref<96xi32, #tpu.memory_space<vmem>>
        %dma_start3A_408 = arith.constant 0 : i32
        %dma_start3A_409 = arith.constant 0 : i32
        %dma_start3A_410 = tpu.memref_slice %arg3[%dma_start3A_408, %dma_start3A_409] : memref<100001x64xf32, #tpu.memory_space<hbm>> -> memref<100001x64xf32, #tpu.memory_space<hbm>>
        tpu.enqueue_indirect_dma source(%dma_start3A_410 : memref<100001x64xf32, #tpu.memory_space<hbm>>) target(%dma_start3A_404 : memref<96x64xf32, #tpu.memory_space<vmem>>) offsets(%dma_start3A_407 : memref<96xi32, #tpu.memory_space<vmem>>) semaphore(%arg11 : memref<!tpu.dma_semaphore, #tpu.memory_space<semaphore_mem>>)
      } else {
      }
      %dma_wait3A_316 = arith.constant 0 : i32
      %dma_wait3A_317 = arith.constant 3 : i32
      %dma_wait3A_318 = arith.constant 0 : i32
      %dma_wait3A_319 = arith.constant 0 : i32
      %dma_wait3A_320 = tpu.memref_slice %arg6[%dma_wait3A_317, %dma_wait3A_318, %dma_wait3A_319] : memref<4x200x64xf32, #tpu.memory_space<vmem>> -> memref<1x104x64xf32, #tpu.memory_space<vmem>>
      %dma_wait3A_321 = tpu.memref_squeeze %dma_wait3A_320 : memref<1x104x64xf32, #tpu.memory_space<vmem>> -> memref<104x64xf32, #tpu.memory_space<vmem>>
      %dma_wait3A_322 = arith.constant 0 : i32
      %dma_wait3A_323 = tpu.memref_slice %arg5[%dma_wait3A_316, %dma_wait3A_322] : memref<128x200xi32, #tpu.memory_space<vmem>> -> memref<1x104xi32, #tpu.memory_space<vmem>>
      %dma_wait3A_324 = tpu.memref_squeeze %dma_wait3A_323 : memref<1x104xi32, #tpu.memory_space<vmem>> -> memref<104xi32, #tpu.memory_space<vmem>>
      %dma_wait3A_325 = arith.constant 0 : i32
      %dma_wait3A_326 = arith.constant 0 : i32
      %dma_wait3A_327 = tpu.memref_slice %arg3[%dma_wait3A_325, %dma_wait3A_326] : memref<100001x64xf32, #tpu.memory_space<hbm>> -> memref<100001x64xf32, #tpu.memory_space<hbm>>
      tpu.wait_indirect_dma semaphore(%arg12 : memref<!tpu.dma_semaphore, #tpu.memory_space<semaphore_mem>>) src(%dma_wait3A_327 : memref<100001x64xf32, #tpu.memory_space<hbm>>) dst(%dma_wait3A_321 : memref<104x64xf32, #tpu.memory_space<vmem>>)
      %dma_wait3A_328 = arith.constant 0 : i32
      %dma_wait3A_329 = arith.constant 3 : i32
      %dma_wait3A_330 = arith.constant 104 : i32
      %dma_wait3A_331 = arith.constant 0 : i32
      %dma_wait3A_332 = tpu.memref_slice %arg6[%dma_wait3A_329, %dma_wait3A_330, %dma_wait3A_331] : memref<4x200x64xf32, #tpu.memory_space<vmem>> -> memref<1x96x64xf32, #tpu.memory_space<vmem>>
      %dma_wait3A_333 = tpu.memref_squeeze %dma_wait3A_332 : memref<1x96x64xf32, #tpu.memory_space<vmem>> -> memref<96x64xf32, #tpu.memory_space<vmem>>
      %dma_wait3A_334 = arith.constant 104 : i32
      %dma_wait3A_335 = tpu.memref_slice %arg5[%dma_wait3A_328, %dma_wait3A_334] : memref<128x200xi32, #tpu.memory_space<vmem>> -> memref<1x96xi32, #tpu.memory_space<vmem>>
      %dma_wait3A_336 = tpu.memref_squeeze %dma_wait3A_335 : memref<1x96xi32, #tpu.memory_space<vmem>> -> memref<96xi32, #tpu.memory_space<vmem>>
      %dma_wait3A_337 = arith.constant 0 : i32
      %dma_wait3A_338 = arith.constant 0 : i32
      %dma_wait3A_339 = tpu.memref_slice %arg3[%dma_wait3A_337, %dma_wait3A_338] : memref<100001x64xf32, #tpu.memory_space<hbm>> -> memref<100001x64xf32, #tpu.memory_space<hbm>>
      tpu.wait_indirect_dma semaphore(%arg12 : memref<!tpu.dma_semaphore, #tpu.memory_space<semaphore_mem>>) src(%dma_wait3A_339 : memref<100001x64xf32, #tpu.memory_space<hbm>>) dst(%dma_wait3A_333 : memref<96x64xf32, #tpu.memory_space<vmem>>)
      %add3A_340 = arith.constant 3 : i32
      %add3A_341 = arith.addi %add3A_113, %add3A_340 : i32
      %broadcast_in_dim3A_342 = arith.constant 0.000000e+00 : f32
      %broadcast_in_dim3A_343 = vector.broadcast %broadcast_in_dim3A_342 : f32 to vector<16xf32>
      %broadcast_in_dim3A_344 = arith.constant 0.000000e+00 : f32
      %broadcast_in_dim3A_345 = vector.broadcast %broadcast_in_dim3A_344 : f32 to vector<16xf32>
      %broadcast_in_dim3A_346 = arith.constant 0.000000e+00 : f32
      %broadcast_in_dim3A_347 = vector.broadcast %broadcast_in_dim3A_346 : f32 to vector<16xf32>
      %broadcast_in_dim3A_348 = arith.constant 0.000000e+00 : f32
      %broadcast_in_dim3A_349 = vector.broadcast %broadcast_in_dim3A_348 : f32 to vector<16xf32>
      %scan3A_350 = arith.constant 0 : i32
      %scan3A_351 = arith.constant 200 : i32
      %scan3A_352 = arith.addi %scan3A_350, %scan3A_351 : i32
      %scan3A_353 = arith.constant 8 : i32
      %scan3A_354:4 = scf.for %scan3A_385 = %scan3A_350 to %scan3A_352 step %scan3A_353 iter_args(%scan3A_386 = %broadcast_in_dim3A_343, %scan3A_387 = %broadcast_in_dim3A_345, %scan3A_388 = %broadcast_in_dim3A_347, %scan3A_389 = %broadcast_in_dim3A_349) -> (vector<16xf32>, vector<16xf32>, vector<16xf32>, vector<16xf32>)  : i32 {
        %get3A = arith.constant 3 : i32
        %get3A_390 = arith.index_cast %get3A : i32 to index
        %get3A_391 = arith.index_cast %scan3A_385 : i32 to index
        %get3A_392 = arith.constant 0 : index
        %get3A_393 = tpu.vector_load %arg6[%get3A_390, %get3A_391, %get3A_392] {strides = array<i32>} : memref<4x200x64xf32, #tpu.memory_space<vmem>>, vector<1x1x16xf32>,
        %get3A_394 = vector.shape_cast %get3A_393 : vector<1x1x16xf32> to vector<16xf32>
        %add3A_395 = arith.addf %scan3A_386, %get3A_394 : vector<16xf32>
        %get3A_396 = arith.constant 3 : i32
        %get3A_397 = arith.index_cast %get3A_396 : i32 to index
        %get3A_398 = arith.index_cast %scan3A_385 : i32 to index
        %get3A_399 = arith.constant 16 : index
        %get3A_400 = tpu.vector_load %arg6[%get3A_397, %get3A_398, %get3A_399] {strides = array<i32>} : memref<4x200x64xf32, #tpu.memory_space<vmem>>, vector<1x1x16xf32>,
        %get3A_401 = vector.shape_cast %get3A_400 : vector<1x1x16xf32> to vector<16xf32>
        %add3A_402 = arith.addf %scan3A_387, %get3A_401 : vector<16xf32>
        %get3A_403 = arith.constant 3 : i32
        %get3A_404 = arith.index_cast %get3A_403 : i32 to index
        %get3A_405 = arith.index_cast %scan3A_385 : i32 to index
        %get3A_406 = arith.constant 32 : index
        %get3A_407 = tpu.vector_load %arg6[%get3A_404, %get3A_405, %get3A_406] {strides = array<i32>} : memref<4x200x64xf32, #tpu.memory_space<vmem>>, vector<1x1x16xf32>,
        %get3A_408 = vector.shape_cast %get3A_407 : vector<1x1x16xf32> to vector<16xf32>
        %add3A_409 = arith.addf %scan3A_388, %get3A_408 : vector<16xf32>
        %get3A_410 = arith.constant 3 : i32
        %get3A_411 = arith.index_cast %get3A_410 : i32 to index
        %get3A_412 = arith.index_cast %scan3A_385 : i32 to index
        %get3A_413 = arith.constant 48 : index
        %get3A_414 = tpu.vector_load %arg6[%get3A_411, %get3A_412, %get3A_413] {strides = array<i32>} : memref<4x200x64xf32, #tpu.memory_space<vmem>>, vector<1x1x16xf32>,
        %get3A_415 = vector.shape_cast %get3A_414 : vector<1x1x16xf32> to vector<16xf32>
        %add3A_416 = arith.addf %scan3A_389, %get3A_415 : vector<16xf32>
        %scan3A_417 = arith.constant 1 : i32
        %scan3A_418 = arith.addi %scan3A_385, %scan3A_417 : i32
        %get3A_419 = arith.constant 3 : i32
        %get3A_420 = arith.index_cast %get3A_419 : i32 to index
        %get3A_421 = arith.index_cast %scan3A_418 : i32 to index
        %get3A_422 = arith.constant 0 : index
        %get3A_423 = tpu.vector_load %arg6[%get3A_420, %get3A_421, %get3A_422] {strides = array<i32>} : memref<4x200x64xf32, #tpu.memory_space<vmem>>, vector<1x1x16xf32>,
        %get3A_424 = vector.shape_cast %get3A_423 : vector<1x1x16xf32> to vector<16xf32>
        %add3A_425 = arith.addf %add3A_395, %get3A_424 : vector<16xf32>
        %get3A_426 = arith.constant 3 : i32
        %get3A_427 = arith.index_cast %get3A_426 : i32 to index
        %get3A_428 = arith.index_cast %scan3A_418 : i32 to index
        %get3A_429 = arith.constant 16 : index
        %get3A_430 = tpu.vector_load %arg6[%get3A_427, %get3A_428, %get3A_429] {strides = array<i32>} : memref<4x200x64xf32, #tpu.memory_space<vmem>>, vector<1x1x16xf32>,
        %get3A_431 = vector.shape_cast %get3A_430 : vector<1x1x16xf32> to vector<16xf32>
        %add3A_432 = arith.addf %add3A_402, %get3A_431 : vector<16xf32>
        %get3A_433 = arith.constant 3 : i32
        %get3A_434 = arith.index_cast %get3A_433 : i32 to index
        %get3A_435 = arith.index_cast %scan3A_418 : i32 to index
        %get3A_436 = arith.constant 32 : index
        %get3A_437 = tpu.vector_load %arg6[%get3A_434, %get3A_435, %get3A_436] {strides = array<i32>} : memref<4x200x64xf32, #tpu.memory_space<vmem>>, vector<1x1x16xf32>,
        %get3A_438 = vector.shape_cast %get3A_437 : vector<1x1x16xf32> to vector<16xf32>
        %add3A_439 = arith.addf %add3A_409, %get3A_438 : vector<16xf32>
        %get3A_440 = arith.constant 3 : i32
        %get3A_441 = arith.index_cast %get3A_440 : i32 to index
        %get3A_442 = arith.index_cast %scan3A_418 : i32 to index
        %get3A_443 = arith.constant 48 : index
        %get3A_444 = tpu.vector_load %arg6[%get3A_441, %get3A_442, %get3A_443] {strides = array<i32>} : memref<4x200x64xf32, #tpu.memory_space<vmem>>, vector<1x1x16xf32>,
        %get3A_445 = vector.shape_cast %get3A_444 : vector<1x1x16xf32> to vector<16xf32>
        %add3A_446 = arith.addf %add3A_416, %get3A_445 : vector<16xf32>
        %scan3A_447 = arith.constant 2 : i32
        %scan3A_448 = arith.addi %scan3A_385, %scan3A_447 : i32
        %get3A_449 = arith.constant 3 : i32
        %get3A_450 = arith.index_cast %get3A_449 : i32 to index
        %get3A_451 = arith.index_cast %scan3A_448 : i32 to index
        %get3A_452 = arith.constant 0 : index
        %get3A_453 = tpu.vector_load %arg6[%get3A_450, %get3A_451, %get3A_452] {strides = array<i32>} : memref<4x200x64xf32, #tpu.memory_space<vmem>>, vector<1x1x16xf32>,
        %get3A_454 = vector.shape_cast %get3A_453 : vector<1x1x16xf32> to vector<16xf32>
        %add3A_455 = arith.addf %add3A_425, %get3A_454 : vector<16xf32>
        %get3A_456 = arith.constant 3 : i32
        %get3A_457 = arith.index_cast %get3A_456 : i32 to index
        %get3A_458 = arith.index_cast %scan3A_448 : i32 to index
        %get3A_459 = arith.constant 16 : index
        %get3A_460 = tpu.vector_load %arg6[%get3A_457, %get3A_458, %get3A_459] {strides = array<i32>} : memref<4x200x64xf32, #tpu.memory_space<vmem>>, vector<1x1x16xf32>,
        %get3A_461 = vector.shape_cast %get3A_460 : vector<1x1x16xf32> to vector<16xf32>
        %add3A_462 = arith.addf %add3A_432, %get3A_461 : vector<16xf32>
        %get3A_463 = arith.constant 3 : i32
        %get3A_464 = arith.index_cast %get3A_463 : i32 to index
        %get3A_465 = arith.index_cast %scan3A_448 : i32 to index
        %get3A_466 = arith.constant 32 : index
        %get3A_467 = tpu.vector_load %arg6[%get3A_464, %get3A_465, %get3A_466] {strides = array<i32>} : memref<4x200x64xf32, #tpu.memory_space<vmem>>, vector<1x1x16xf32>,
        %get3A_468 = vector.shape_cast %get3A_467 : vector<1x1x16xf32> to vector<16xf32>
        %add3A_469 = arith.addf %add3A_439, %get3A_468 : vector<16xf32>
        %get3A_470 = arith.constant 3 : i32
        %get3A_471 = arith.index_cast %get3A_470 : i32 to index
        %get3A_472 = arith.index_cast %scan3A_448 : i32 to index
        %get3A_473 = arith.constant 48 : index
        %get3A_474 = tpu.vector_load %arg6[%get3A_471, %get3A_472, %get3A_473] {strides = array<i32>} : memref<4x200x64xf32, #tpu.memory_space<vmem>>, vector<1x1x16xf32>,
        %get3A_475 = vector.shape_cast %get3A_474 : vector<1x1x16xf32> to vector<16xf32>
        %add3A_476 = arith.addf %add3A_446, %get3A_475 : vector<16xf32>
        %scan3A_477 = arith.constant 3 : i32
        %scan3A_478 = arith.addi %scan3A_385, %scan3A_477 : i32
        %get3A_479 = arith.constant 3 : i32
        %get3A_480 = arith.index_cast %get3A_479 : i32 to index
        %get3A_481 = arith.index_cast %scan3A_478 : i32 to index
        %get3A_482 = arith.constant 0 : index
        %get3A_483 = tpu.vector_load %arg6[%get3A_480, %get3A_481, %get3A_482] {strides = array<i32>} : memref<4x200x64xf32, #tpu.memory_space<vmem>>, vector<1x1x16xf32>,
        %get3A_484 = vector.shape_cast %get3A_483 : vector<1x1x16xf32> to vector<16xf32>
        %add3A_485 = arith.addf %add3A_455, %get3A_484 : vector<16xf32>
        %get3A_486 = arith.constant 3 : i32
        %get3A_487 = arith.index_cast %get3A_486 : i32 to index
        %get3A_488 = arith.index_cast %scan3A_478 : i32 to index
        %get3A_489 = arith.constant 16 : index
        %get3A_490 = tpu.vector_load %arg6[%get3A_487, %get3A_488, %get3A_489] {strides = array<i32>} : memref<4x200x64xf32, #tpu.memory_space<vmem>>, vector<1x1x16xf32>,
        %get3A_491 = vector.shape_cast %get3A_490 : vector<1x1x16xf32> to vector<16xf32>
        %add3A_492 = arith.addf %add3A_462, %get3A_491 : vector<16xf32>
        %get3A_493 = arith.constant 3 : i32
        %get3A_494 = arith.index_cast %get3A_493 : i32 to index
        %get3A_495 = arith.index_cast %scan3A_478 : i32 to index
        %get3A_496 = arith.constant 32 : index
        %get3A_497 = tpu.vector_load %arg6[%get3A_494, %get3A_495, %get3A_496] {strides = array<i32>} : memref<4x200x64xf32, #tpu.memory_space<vmem>>, vector<1x1x16xf32>,
        %get3A_498 = vector.shape_cast %get3A_497 : vector<1x1x16xf32> to vector<16xf32>
        %add3A_499 = arith.addf %add3A_469, %get3A_498 : vector<16xf32>
        %get3A_500 = arith.constant 3 : i32
        %get3A_501 = arith.index_cast %get3A_500 : i32 to index
        %get3A_502 = arith.index_cast %scan3A_478 : i32 to index
        %get3A_503 = arith.constant 48 : index
        %get3A_504 = tpu.vector_load %arg6[%get3A_501, %get3A_502, %get3A_503] {strides = array<i32>} : memref<4x200x64xf32, #tpu.memory_space<vmem>>, vector<1x1x16xf32>,
        %get3A_505 = vector.shape_cast %get3A_504 : vector<1x1x16xf32> to vector<16xf32>
        %add3A_506 = arith.addf %add3A_476, %get3A_505 : vector<16xf32>
        %scan3A_507 = arith.constant 4 : i32
        %scan3A_508 = arith.addi %scan3A_385, %scan3A_507 : i32
        %get3A_509 = arith.constant 3 : i32
        %get3A_510 = arith.index_cast %get3A_509 : i32 to index
        %get3A_511 = arith.index_cast %scan3A_508 : i32 to index
        %get3A_512 = arith.constant 0 : index
        %get3A_513 = tpu.vector_load %arg6[%get3A_510, %get3A_511, %get3A_512] {strides = array<i32>} : memref<4x200x64xf32, #tpu.memory_space<vmem>>, vector<1x1x16xf32>,
        %get3A_514 = vector.shape_cast %get3A_513 : vector<1x1x16xf32> to vector<16xf32>
        %add3A_515 = arith.addf %add3A_485, %get3A_514 : vector<16xf32>
        %get3A_516 = arith.constant 3 : i32
        %get3A_517 = arith.index_cast %get3A_516 : i32 to index
        %get3A_518 = arith.index_cast %scan3A_508 : i32 to index
        %get3A_519 = arith.constant 16 : index
        %get3A_520 = tpu.vector_load %arg6[%get3A_517, %get3A_518, %get3A_519] {strides = array<i32>} : memref<4x200x64xf32, #tpu.memory_space<vmem>>, vector<1x1x16xf32>,
        %get3A_521 = vector.shape_cast %get3A_520 : vector<1x1x16xf32> to vector<16xf32>
        %add3A_522 = arith.addf %add3A_492, %get3A_521 : vector<16xf32>
        %get3A_523 = arith.constant 3 : i32
        %get3A_524 = arith.index_cast %get3A_523 : i32 to index
        %get3A_525 = arith.index_cast %scan3A_508 : i32 to index
        %get3A_526 = arith.constant 32 : index
        %get3A_527 = tpu.vector_load %arg6[%get3A_524, %get3A_525, %get3A_526] {strides = array<i32>} : memref<4x200x64xf32, #tpu.memory_space<vmem>>, vector<1x1x16xf32>,
        %get3A_528 = vector.shape_cast %get3A_527 : vector<1x1x16xf32> to vector<16xf32>
        %add3A_529 = arith.addf %add3A_499, %get3A_528 : vector<16xf32>
        %get3A_530 = arith.constant 3 : i32
        %get3A_531 = arith.index_cast %get3A_530 : i32 to index
        %get3A_532 = arith.index_cast %scan3A_508 : i32 to index
        %get3A_533 = arith.constant 48 : index
        %get3A_534 = tpu.vector_load %arg6[%get3A_531, %get3A_532, %get3A_533] {strides = array<i32>} : memref<4x200x64xf32, #tpu.memory_space<vmem>>, vector<1x1x16xf32>,
        %get3A_535 = vector.shape_cast %get3A_534 : vector<1x1x16xf32> to vector<16xf32>
        %add3A_536 = arith.addf %add3A_506, %get3A_535 : vector<16xf32>
        %scan3A_537 = arith.constant 5 : i32
        %scan3A_538 = arith.addi %scan3A_385, %scan3A_537 : i32
        %get3A_539 = arith.constant 3 : i32
        %get3A_540 = arith.index_cast %get3A_539 : i32 to index
        %get3A_541 = arith.index_cast %scan3A_538 : i32 to index
        %get3A_542 = arith.constant 0 : index
        %get3A_543 = tpu.vector_load %arg6[%get3A_540, %get3A_541, %get3A_542] {strides = array<i32>} : memref<4x200x64xf32, #tpu.memory_space<vmem>>, vector<1x1x16xf32>,
        %get3A_544 = vector.shape_cast %get3A_543 : vector<1x1x16xf32> to vector<16xf32>
        %add3A_545 = arith.addf %add3A_515, %get3A_544 : vector<16xf32>
        %get3A_546 = arith.constant 3 : i32
        %get3A_547 = arith.index_cast %get3A_546 : i32 to index
        %get3A_548 = arith.index_cast %scan3A_538 : i32 to index
        %get3A_549 = arith.constant 16 : index
        %get3A_550 = tpu.vector_load %arg6[%get3A_547, %get3A_548, %get3A_549] {strides = array<i32>} : memref<4x200x64xf32, #tpu.memory_space<vmem>>, vector<1x1x16xf32>,
        %get3A_551 = vector.shape_cast %get3A_550 : vector<1x1x16xf32> to vector<16xf32>
        %add3A_552 = arith.addf %add3A_522, %get3A_551 : vector<16xf32>
        %get3A_553 = arith.constant 3 : i32
        %get3A_554 = arith.index_cast %get3A_553 : i32 to index
        %get3A_555 = arith.index_cast %scan3A_538 : i32 to index
        %get3A_556 = arith.constant 32 : index
        %get3A_557 = tpu.vector_load %arg6[%get3A_554, %get3A_555, %get3A_556] {strides = array<i32>} : memref<4x200x64xf32, #tpu.memory_space<vmem>>, vector<1x1x16xf32>,
        %get3A_558 = vector.shape_cast %get3A_557 : vector<1x1x16xf32> to vector<16xf32>
        %add3A_559 = arith.addf %add3A_529, %get3A_558 : vector<16xf32>
        %get3A_560 = arith.constant 3 : i32
        %get3A_561 = arith.index_cast %get3A_560 : i32 to index
        %get3A_562 = arith.index_cast %scan3A_538 : i32 to index
        %get3A_563 = arith.constant 48 : index
        %get3A_564 = tpu.vector_load %arg6[%get3A_561, %get3A_562, %get3A_563] {strides = array<i32>} : memref<4x200x64xf32, #tpu.memory_space<vmem>>, vector<1x1x16xf32>,
        %get3A_565 = vector.shape_cast %get3A_564 : vector<1x1x16xf32> to vector<16xf32>
        %add3A_566 = arith.addf %add3A_536, %get3A_565 : vector<16xf32>
        %scan3A_567 = arith.constant 6 : i32
        %scan3A_568 = arith.addi %scan3A_385, %scan3A_567 : i32
        %get3A_569 = arith.constant 3 : i32
        %get3A_570 = arith.index_cast %get3A_569 : i32 to index
        %get3A_571 = arith.index_cast %scan3A_568 : i32 to index
        %get3A_572 = arith.constant 0 : index
        %get3A_573 = tpu.vector_load %arg6[%get3A_570, %get3A_571, %get3A_572] {strides = array<i32>} : memref<4x200x64xf32, #tpu.memory_space<vmem>>, vector<1x1x16xf32>,
        %get3A_574 = vector.shape_cast %get3A_573 : vector<1x1x16xf32> to vector<16xf32>
        %add3A_575 = arith.addf %add3A_545, %get3A_574 : vector<16xf32>
        %get3A_576 = arith.constant 3 : i32
        %get3A_577 = arith.index_cast %get3A_576 : i32 to index
        %get3A_578 = arith.index_cast %scan3A_568 : i32 to index
        %get3A_579 = arith.constant 16 : index
        %get3A_580 = tpu.vector_load %arg6[%get3A_577, %get3A_578, %get3A_579] {strides = array<i32>} : memref<4x200x64xf32, #tpu.memory_space<vmem>>, vector<1x1x16xf32>,
        %get3A_581 = vector.shape_cast %get3A_580 : vector<1x1x16xf32> to vector<16xf32>
        %add3A_582 = arith.addf %add3A_552, %get3A_581 : vector<16xf32>
        %get3A_583 = arith.constant 3 : i32
        %get3A_584 = arith.index_cast %get3A_583 : i32 to index
        %get3A_585 = arith.index_cast %scan3A_568 : i32 to index
        %get3A_586 = arith.constant 32 : index
        %get3A_587 = tpu.vector_load %arg6[%get3A_584, %get3A_585, %get3A_586] {strides = array<i32>} : memref<4x200x64xf32, #tpu.memory_space<vmem>>, vector<1x1x16xf32>,
        %get3A_588 = vector.shape_cast %get3A_587 : vector<1x1x16xf32> to vector<16xf32>
        %add3A_589 = arith.addf %add3A_559, %get3A_588 : vector<16xf32>
        %get3A_590 = arith.constant 3 : i32
        %get3A_591 = arith.index_cast %get3A_590 : i32 to index
        %get3A_592 = arith.index_cast %scan3A_568 : i32 to index
        %get3A_593 = arith.constant 48 : index
        %get3A_594 = tpu.vector_load %arg6[%get3A_591, %get3A_592, %get3A_593] {strides = array<i32>} : memref<4x200x64xf32, #tpu.memory_space<vmem>>, vector<1x1x16xf32>,
        %get3A_595 = vector.shape_cast %get3A_594 : vector<1x1x16xf32> to vector<16xf32>
        %add3A_596 = arith.addf %add3A_566, %get3A_595 : vector<16xf32>
        %scan3A_597 = arith.constant 7 : i32
        %scan3A_598 = arith.addi %scan3A_385, %scan3A_597 : i32
        %get3A_599 = arith.constant 3 : i32
        %get3A_600 = arith.index_cast %get3A_599 : i32 to index
        %get3A_601 = arith.index_cast %scan3A_598 : i32 to index
        %get3A_602 = arith.constant 0 : index
        %get3A_603 = tpu.vector_load %arg6[%get3A_600, %get3A_601, %get3A_602] {strides = array<i32>} : memref<4x200x64xf32, #tpu.memory_space<vmem>>, vector<1x1x16xf32>,
        %get3A_604 = vector.shape_cast %get3A_603 : vector<1x1x16xf32> to vector<16xf32>
        %add3A_605 = arith.addf %add3A_575, %get3A_604 : vector<16xf32>
        %get3A_606 = arith.constant 3 : i32
        %get3A_607 = arith.index_cast %get3A_606 : i32 to index
        %get3A_608 = arith.index_cast %scan3A_598 : i32 to index
        %get3A_609 = arith.constant 16 : index
        %get3A_610 = tpu.vector_load %arg6[%get3A_607, %get3A_608, %get3A_609] {strides = array<i32>} : memref<4x200x64xf32, #tpu.memory_space<vmem>>, vector<1x1x16xf32>,
        %get3A_611 = vector.shape_cast %get3A_610 : vector<1x1x16xf32> to vector<16xf32>
        %add3A_612 = arith.addf %add3A_582, %get3A_611 : vector<16xf32>
        %get3A_613 = arith.constant 3 : i32
        %get3A_614 = arith.index_cast %get3A_613 : i32 to index
        %get3A_615 = arith.index_cast %scan3A_598 : i32 to index
        %get3A_616 = arith.constant 32 : index
        %get3A_617 = tpu.vector_load %arg6[%get3A_614, %get3A_615, %get3A_616] {strides = array<i32>} : memref<4x200x64xf32, #tpu.memory_space<vmem>>, vector<1x1x16xf32>,
        %get3A_618 = vector.shape_cast %get3A_617 : vector<1x1x16xf32> to vector<16xf32>
        %add3A_619 = arith.addf %add3A_589, %get3A_618 : vector<16xf32>
        %get3A_620 = arith.constant 3 : i32
        %get3A_621 = arith.index_cast %get3A_620 : i32 to index
        %get3A_622 = arith.index_cast %scan3A_598 : i32 to index
        %get3A_623 = arith.constant 48 : index
        %get3A_624 = tpu.vector_load %arg6[%get3A_621, %get3A_622, %get3A_623] {strides = array<i32>} : memref<4x200x64xf32, #tpu.memory_space<vmem>>, vector<1x1x16xf32>,
        %get3A_625 = vector.shape_cast %get3A_624 : vector<1x1x16xf32> to vector<16xf32>
        %add3A_626 = arith.addf %add3A_596, %get3A_625 : vector<16xf32>
        scf.yield %add3A_605, %add3A_612, %add3A_619, %add3A_626 : vector<16xf32>, vector<16xf32>, vector<16xf32>, vector<16xf32>
      }
      %scan3A_355 = arith.constant 200 : i32
      %swap3A_356 = arith.index_cast %add3A_341 : i32 to index
      %swap3A_357 = arith.constant 0 : index
      %swap3A_358 = tpu.vector_load %arg7[%swap3A_356, %swap3A_357] {strides = array<i32>} : memref<128x64xf32, #tpu.memory_space<vmem>>, vector<1x16xf32>,
      %swap3A_359 = vector.shape_cast %swap3A_358 : vector<1x16xf32> to vector<16xf32>
      %swap3A_360 = vector.shape_cast %scan3A_354#0 : vector<16xf32> to vector<1x16xf32>
      tpu.vector_store %arg7[%swap3A_356, %swap3A_357], %swap3A_360 {strides = array<i32>} : memref<128x64xf32, #tpu.memory_space<vmem>>, vector<1x16xf32>,
      %swap3A_361 = arith.index_cast %add3A_341 : i32 to index
      %swap3A_362 = arith.constant 16 : index
      %swap3A_363 = tpu.vector_load %arg7[%swap3A_361, %swap3A_362] {strides = array<i32>} : memref<128x64xf32, #tpu.memory_space<vmem>>, vector<1x16xf32>,
      %swap3A_364 = vector.shape_cast %swap3A_363 : vector<1x16xf32> to vector<16xf32>
      %swap3A_365 = vector.shape_cast %scan3A_354#1 : vector<16xf32> to vector<1x16xf32>
      tpu.vector_store %arg7[%swap3A_361, %swap3A_362], %swap3A_365 {strides = array<i32>} : memref<128x64xf32, #tpu.memory_space<vmem>>, vector<1x16xf32>,
      %swap3A_366 = arith.index_cast %add3A_341 : i32 to index
      %swap3A_367 = arith.constant 32 : index
      %swap3A_368 = tpu.vector_load %arg7[%swap3A_366, %swap3A_367] {strides = array<i32>} : memref<128x64xf32, #tpu.memory_space<vmem>>, vector<1x16xf32>,
      %swap3A_369 = vector.shape_cast %swap3A_368 : vector<1x16xf32> to vector<16xf32>
      %swap3A_370 = vector.shape_cast %scan3A_354#2 : vector<16xf32> to vector<1x16xf32>
      tpu.vector_store %arg7[%swap3A_366, %swap3A_367], %swap3A_370 {strides = array<i32>} : memref<128x64xf32, #tpu.memory_space<vmem>>, vector<1x16xf32>,
      %swap3A_371 = arith.index_cast %add3A_341 : i32 to index
      %swap3A_372 = arith.constant 48 : index
      %swap3A_373 = tpu.vector_load %arg7[%swap3A_371, %swap3A_372] {strides = array<i32>} : memref<128x64xf32, #tpu.memory_space<vmem>>, vector<1x16xf32>,
      %swap3A_374 = vector.shape_cast %swap3A_373 : vector<1x16xf32> to vector<16xf32>
      %swap3A_375 = vector.shape_cast %scan3A_354#3 : vector<16xf32> to vector<1x16xf32>
      tpu.vector_store %arg7[%swap3A_371, %swap3A_372], %swap3A_375 {strides = array<i32>} : memref<128x64xf32, #tpu.memory_space<vmem>>, vector<1x16xf32>,
      %add3A_376 = arith.constant 3 : i32
      %add3A_377 = arith.addi %add3A_113, %add3A_376 : i32
      %add3A_378 = arith.constant 4 : i32
      %add3A_379 = arith.addi %add3A_377, %add3A_378 : i32
      %lt3A_380 = arith.constant 128 : i32
      %lt3A_381 = arith.cmpi slt, %add3A_379, %lt3A_380 : i32
      %convert_element_type3A_382 = arith.extui %lt3A_381 : i1 to i32
      %cond3A_383 = arith.constant 0 : i32
      %cond3A_384 = arith.cmpi ne, %convert_element_type3A_382, %cond3A_383 : i32
      scf.if %cond3A_384 {
        %add3A_385 = arith.constant 3 : i32
        %add3A_386 = arith.addi %add3A_113, %add3A_385 : i32
        %add3A_387 = arith.constant 4 : i32
        %add3A_388 = arith.addi %add3A_386, %add3A_387 : i32
        %dma_start3A_389 = arith.constant 3 : i32
        %dma_start3A_390 = arith.constant 0 : i32
        %dma_start3A_391 = arith.constant 0 : i32
        %dma_start3A_392 = tpu.memref_slice %arg6[%dma_start3A_389, %dma_start3A_390, %dma_start3A_391] : memref<4x200x64xf32, #tpu.memory_space<vmem>> -> memref<1x104x64xf32, #tpu.memory_space<vmem>>
        %dma_start3A_393 = tpu.memref_squeeze %dma_start3A_392 : memref<1x104x64xf32, #tpu.memory_space<vmem>> -> memref<104x64xf32, #tpu.memory_space<vmem>>
        %dma_start3A_394 = arith.constant 0 : i32
        %dma_start3A_395 = tpu.memref_slice %arg5[%add3A_388, %dma_start3A_394] : memref<128x200xi32, #tpu.memory_space<vmem>> -> memref<1x104xi32, #tpu.memory_space<vmem>>
        %dma_start3A_396 = tpu.memref_squeeze %dma_start3A_395 : memref<1x104xi32, #tpu.memory_space<vmem>> -> memref<104xi32, #tpu.memory_space<vmem>>
        %dma_start3A_397 = arith.constant 0 : i32
        %dma_start3A_398 = arith.constant 0 : i32
        %dma_start3A_399 = tpu.memref_slice %arg3[%dma_start3A_397, %dma_start3A_398] : memref<100001x64xf32, #tpu.memory_space<hbm>> -> memref<100001x64xf32, #tpu.memory_space<hbm>>
        tpu.enqueue_indirect_dma source(%dma_start3A_399 : memref<100001x64xf32, #tpu.memory_space<hbm>>) target(%dma_start3A_393 : memref<104x64xf32, #tpu.memory_space<vmem>>) offsets(%dma_start3A_396 : memref<104xi32, #tpu.memory_space<vmem>>) semaphore(%arg12 : memref<!tpu.dma_semaphore, #tpu.memory_space<semaphore_mem>>)
        %dma_start3A_400 = arith.constant 3 : i32
        %dma_start3A_401 = arith.constant 104 : i32
        %dma_start3A_402 = arith.constant 0 : i32
        %dma_start3A_403 = tpu.memref_slice %arg6[%dma_start3A_400, %dma_start3A_401, %dma_start3A_402] : memref<4x200x64xf32, #tpu.memory_space<vmem>> -> memref<1x96x64xf32, #tpu.memory_space<vmem>>
        %dma_start3A_404 = tpu.memref_squeeze %dma_start3A_403 : memref<1x96x64xf32, #tpu.memory_space<vmem>> -> memref<96x64xf32, #tpu.memory_space<vmem>>
        %dma_start3A_405 = arith.constant 104 : i32
        %dma_start3A_406 = tpu.memref_slice %arg5[%add3A_388, %dma_start3A_405] : memref<128x200xi32, #tpu.memory_space<vmem>> -> memref<1x96xi32, #tpu.memory_space<vmem>>
        %dma_start3A_407 = tpu.memref_squeeze %dma_start3A_406 : memref<1x96xi32, #tpu.memory_space<vmem>> -> memref<96xi32, #tpu.memory_space<vmem>>
        %dma_start3A_408 = arith.constant 0 : i32
        %dma_start3A_409 = arith.constant 0 : i32
        %dma_start3A_410 = tpu.memref_slice %arg3[%dma_start3A_408, %dma_start3A_409] : memref<100001x64xf32, #tpu.memory_space<hbm>> -> memref<100001x64xf32, #tpu.memory_space<hbm>>
        tpu.enqueue_indirect_dma source(%dma_start3A_410 : memref<100001x64xf32, #tpu.memory_space<hbm>>) target(%dma_start3A_404 : memref<96x64xf32, #tpu.memory_space<vmem>>) offsets(%dma_start3A_407 : memref<96xi32, #tpu.memory_space<vmem>>) semaphore(%arg12 : memref<!tpu.dma_semaphore, #tpu.memory_space<semaphore_mem>>)
      } else {
      }
    }
    %scan3A_108 = arith.constant 32 : i32
    "tpu.region"() ({
      %run_scoped3A = tpu.sem_alloc : memref<!tpu.dma_semaphore, #tpu.memory_space<semaphore_mem>>
      %dma_start3A_109 = arith.constant 0 : i32
      %dma_start3A_110 = tpu.memref_slice %arg4[%mul3A_2, %dma_start3A_109] : memref<4096x64xf32, #tpu.memory_space<hbm>> -> memref<128x64xf32, #tpu.memory_space<hbm>>
      %dma_start3A_111 = arith.constant 0 : i32
      %dma_start3A_112 = tpu.memref_slice %arg4[%mul3A_2, %dma_start3A_111] : memref<4096x64xf32, #tpu.memory_space<hbm>> -> memref<128x64xf32, #tpu.memory_space<hbm>>
      tpu.enqueue_dma source(%arg7 : memref<128x64xf32, #tpu.memory_space<vmem>>) target(%dma_start3A_112 : memref<128x64xf32, #tpu.memory_space<hbm>>) target_semaphore(%run_scoped3A : memref<!tpu.dma_semaphore, #tpu.memory_space<semaphore_mem>>)
      %dma_wait3A_113 = arith.constant 0 : i32
      %dma_wait3A_114 = tpu.memref_slice %arg4[%mul3A_2, %dma_wait3A_113] : memref<4096x64xf32, #tpu.memory_space<hbm>> -> memref<128x64xf32, #tpu.memory_space<hbm>>
      %dma_wait3A_115 = arith.constant 0 : i32
      %dma_wait3A_116 = tpu.memref_slice %arg4[%mul3A_2, %dma_wait3A_115] : memref<4096x64xf32, #tpu.memory_space<hbm>> -> memref<128x64xf32, #tpu.memory_space<hbm>>
      tpu.wait_dma2 semaphore(%run_scoped3A : memref<!tpu.dma_semaphore, #tpu.memory_space<semaphore_mem>>) src(%arg7 : memref<128x64xf32, #tpu.memory_space<vmem>>) dst(%dma_wait3A_116 : memref<128x64xf32, #tpu.memory_space<hbm>>)
      tpu.yield
    }) : () -> ()
    return
  }
}

module attributes {stable_mosaic.version = 14 : i64} {
  func.func @_mlp_body(%arg0: i32, %arg1: memref<2048x200xi32, #tpu.memory_space<vmem>>, %arg2: memref<2048x64xf32, #tpu.memory_space<vmem>>, %arg3: memref<64x128xf32, #tpu.memory_space<vmem>>, %arg4: memref<1x128xf32, #tpu.memory_space<vmem>>, %arg5: memref<1x128xf32, #tpu.memory_space<vmem>>, %arg6: memref<128x128xf32, #tpu.memory_space<vmem>>, %arg7: memref<1x128xf32, #tpu.memory_space<vmem>>, %arg8: memref<2048x64xf32, #tpu.memory_space<vmem>>, %arg9: memref<2048x64xf32, #tpu.memory_space<vmem>>) attributes {dimension_semantics = [#tpu.dimension_semantics<arbitrary>], iteration_bounds = array<i64: 2>, scalar_prefetch = 0 : i64, scratch_operands = 0 : i64, tpu.core_type = #tpu.core_type<tc>, window_params = [{transform_indices = @transform_0, window_bounds = array<i64: 2048, 200>}, {transform_indices = @transform_1, window_bounds = array<i64: 2048, 64>}, {pipeline_mode = #tpu.pipeline_mode<synchronous>, transform_indices = @transform_2, window_bounds = array<i64: 64, 128>}, {pipeline_mode = #tpu.pipeline_mode<synchronous>, transform_indices = @transform_3, window_bounds = array<i64: 1, 128>}, {pipeline_mode = #tpu.pipeline_mode<synchronous>, transform_indices = @transform_4, window_bounds = array<i64: 1, 128>}, {pipeline_mode = #tpu.pipeline_mode<synchronous>, transform_indices = @transform_5, window_bounds = array<i64: 128, 128>}, {pipeline_mode = #tpu.pipeline_mode<synchronous>, transform_indices = @transform_6, window_bounds = array<i64: 1, 128>}, {transform_indices = @transform_7, window_bounds = array<i64: 2048, 64>}, {transform_indices = @transform_8, window_bounds = array<i64: 2048, 64>}]} {
    %get3A = arith.constant 0 : index
    %get3A_0 = arith.constant 0 : index
    %get3A_1 = vector.load %arg1[%get3A, %get3A_0] : memref<2048x200xi32, #tpu.memory_space<vmem>>, vector<2048x200xi32>
    %gt3A = arith.constant 0 : i32
    %gt3A_2 = vector.broadcast %gt3A : i32 to vector<2048x200xi32>
    %gt3A_3 = arith.cmpi sgt, %get3A_1, %gt3A_2 : vector<2048x200xi32>
    %convert_element_type3A = arith.extui %gt3A_3 : vector<2048x200xi1> to vector<2048x200xi32>
    %convert_element_type3A_4 = arith.sitofp %convert_element_type3A : vector<2048x200xi32> to vector<2048x200xf32>
    %reduce_sum3A = arith.constant dense<0.000000e+00> : vector<2048xf32>
    %reduce_sum3A_5 = vector.multi_reduction <add>, %convert_element_type3A_4, %reduce_sum3A [1] : vector<2048x200xf32> to vector<2048xf32>
    %broadcast_in_dim3A = vector.shape_cast %reduce_sum3A_5 : vector<2048xf32> to vector<2048x1xf32>
    %get3A_6 = arith.constant 0 : index
    %get3A_7 = arith.constant 0 : index
    %get3A_8 = vector.load %arg2[%get3A_6, %get3A_7] : memref<2048x64xf32, #tpu.memory_space<vmem>>, vector<2048x64xf32>
    %div3A = vector.broadcast %broadcast_in_dim3A : vector<2048x1xf32> to vector<2048x64xf32>
    %div3A_9 = arith.divf %get3A_8, %div3A : vector<2048x64xf32>
    %get3A_10 = arith.constant 0 : index
    %get3A_11 = arith.constant 0 : index
    %get3A_12 = vector.load %arg3[%get3A_10, %get3A_11] : memref<64x128xf32, #tpu.memory_space<vmem>>, vector<64x128xf32>
    %dot_general3A = arith.constant dense<0.000000e+00> : vector<2048x128xf32>
    %dot_general3A_13 = tpu.matmul %div3A_9, %get3A_12, %dot_general3A {dimension_numbers = #tpu.dot_dimension_numbers<[1], [0], [0], [1], [0, 0, 1, 1], [], []>, transpose_lhs_hint = false} : vector<2048x64xf32>, vector<64x128xf32>, vector<2048x128xf32> -> vector<2048x128xf32>
    %log3A = math.log %broadcast_in_dim3A : vector<2048x1xf32>
    %get3A_14 = arith.constant 0 : index
    %get3A_15 = arith.constant 0 : index
    %get3A_16 = vector.load %arg4[%get3A_14, %get3A_15] : memref<1x128xf32, #tpu.memory_space<vmem>>, vector<1x128xf32>
    %mul3A = vector.broadcast %log3A : vector<2048x1xf32> to vector<2048x128xf32>
    %mul3A_17 = vector.broadcast %get3A_16 : vector<1x128xf32> to vector<2048x128xf32>
    %mul3A_18 = arith.mulf %mul3A, %mul3A_17 : vector<2048x128xf32>
    %add3A = arith.addf %dot_general3A_13, %mul3A_18 : vector<2048x128xf32>
    %get3A_19 = arith.constant 0 : index
    %get3A_20 = arith.constant 0 : index
    %get3A_21 = vector.load %arg5[%get3A_19, %get3A_20] : memref<1x128xf32, #tpu.memory_space<vmem>>, vector<1x128xf32>
    %add3A_22 = vector.broadcast %get3A_21 : vector<1x128xf32> to vector<2048x128xf32>
    %add3A_23 = arith.addf %add3A, %add3A_22 : vector<2048x128xf32>
    %max3A = arith.constant 0.000000e+00 : f32
    %max3A_24 = vector.broadcast %max3A : f32 to vector<2048x128xf32>
    %max3A_25 = arith.maximumf %add3A_23, %max3A_24 : vector<2048x128xf32>
    %get3A_26 = arith.constant 0 : index
    %get3A_27 = arith.constant 0 : index
    %get3A_28 = vector.load %arg6[%get3A_26, %get3A_27] : memref<128x128xf32, #tpu.memory_space<vmem>>, vector<128x128xf32>
    %dot_general3A_29 = arith.constant dense<0.000000e+00> : vector<2048x128xf32>
    %dot_general3A_30 = tpu.matmul %max3A_25, %get3A_28, %dot_general3A_29 {dimension_numbers = #tpu.dot_dimension_numbers<[1], [0], [0], [1], [0, 0, 1, 1], [], []>, transpose_lhs_hint = false} : vector<2048x128xf32>, vector<128x128xf32>, vector<2048x128xf32> -> vector<2048x128xf32>
    %get3A_31 = arith.constant 0 : index
    %get3A_32 = arith.constant 0 : index
    %get3A_33 = vector.load %arg7[%get3A_31, %get3A_32] : memref<1x128xf32, #tpu.memory_space<vmem>>, vector<1x128xf32>
    %add3A_34 = vector.broadcast %get3A_33 : vector<1x128xf32> to vector<2048x128xf32>
    %add3A_35 = arith.addf %dot_general3A_30, %add3A_34 : vector<2048x128xf32>
    %slice3A = vector.extract_strided_slice %add3A_35 {offsets = [0, 0], sizes = [2048, 64], strides = [1, 1]} : vector<2048x128xf32> to vector<2048x64xf32>
    %swap3A = arith.constant 0 : index
    %swap3A_36 = arith.constant 0 : index
    %swap3A_37 = vector.load %arg8[%swap3A, %swap3A_36] : memref<2048x64xf32, #tpu.memory_space<vmem>>, vector<2048x64xf32>
    tpu.vector_store %arg8[%swap3A, %swap3A_36], %slice3A {strides = array<i32>} : memref<2048x64xf32, #tpu.memory_space<vmem>>, vector<2048x64xf32>,
    %slice3A_38 = vector.extract_strided_slice %add3A_35 {offsets = [0, 64], sizes = [2048, 64], strides = [1, 1]} : vector<2048x128xf32> to vector<2048x64xf32>
    %custom_jvp_call3A = arith.constant 0.000000e+00 : f32
    %max3A_39 = vector.broadcast %custom_jvp_call3A : f32 to vector<2048x64xf32>
    %max3A_40 = arith.maximumf %slice3A_38, %max3A_39 : vector<2048x64xf32>
    %sub3A = vector.broadcast %custom_jvp_call3A : f32 to vector<2048x64xf32>
    %sub3A_41 = arith.subf %slice3A_38, %sub3A : vector<2048x64xf32>
    %ne3A = arith.cmpf one, %sub3A_41, %sub3A_41 : vector<2048x64xf32>
    %add3A_42 = vector.broadcast %custom_jvp_call3A : f32 to vector<2048x64xf32>
    %add3A_43 = arith.addf %slice3A_38, %add3A_42 : vector<2048x64xf32>
    %abs3A = math.absf %sub3A_41 : vector<2048x64xf32>
    %neg3A = arith.constant 0.000000e+00 : f32
    %neg3A_44 = vector.broadcast %neg3A : f32 to vector<2048x64xf32>
    %neg3A_45 = arith.subf %neg3A_44, %abs3A : vector<2048x64xf32>
    %exp3A = math.exp %neg3A_45 : vector<2048x64xf32>
    %log1p3A = math.log1p %exp3A : vector<2048x64xf32>
    %add3A_46 = arith.addf %max3A_40, %log1p3A : vector<2048x64xf32>
    %select_n3A = arith.select %ne3A, %add3A_43, %add3A_46 : vector<2048x64xi1>, vector<2048x64xf32>
    %swap3A_47 = arith.constant 0 : index
    %swap3A_48 = arith.constant 0 : index
    %swap3A_49 = vector.load %arg9[%swap3A_47, %swap3A_48] : memref<2048x64xf32, #tpu.memory_space<vmem>>, vector<2048x64xf32>
    tpu.vector_store %arg9[%swap3A_47, %swap3A_48], %select_n3A {strides = array<i32>} : memref<2048x64xf32, #tpu.memory_space<vmem>>, vector<2048x64xf32>,
    return
  }
  func.func @transform_0(%arg0: i32) -> (i32, i32) {
    %c0_i32 = arith.constant 0 : i32
    %c0_i32_0 = arith.constant 0 : i32
    return %arg0, %c0_i32 : i32, i32
  }
  func.func @transform_1(%arg0: i32) -> (i32, i32) {
    %c0_i32 = arith.constant 0 : i32
    %c0_i32_0 = arith.constant 0 : i32
    return %arg0, %c0_i32 : i32, i32
  }
  func.func @transform_2(%arg0: i32) -> (i32, i32) {
    %c0_i32 = arith.constant 0 : i32
    %c0_i32_0 = arith.constant 0 : i32
    %c0_i32_1 = arith.constant 0 : i32
    return %c0_i32, %c0_i32_0 : i32, i32
  }
  func.func @transform_3(%arg0: i32) -> (i32, i32) {
    %c0_i32 = arith.constant 0 : i32
    %c0_i32_0 = arith.constant 0 : i32
    %c0_i32_1 = arith.constant 0 : i32
    return %c0_i32, %c0_i32_0 : i32, i32
  }
  func.func @transform_4(%arg0: i32) -> (i32, i32) {
    %c0_i32 = arith.constant 0 : i32
    %c0_i32_0 = arith.constant 0 : i32
    %c0_i32_1 = arith.constant 0 : i32
    return %c0_i32, %c0_i32_0 : i32, i32
  }
  func.func @transform_5(%arg0: i32) -> (i32, i32) {
    %c0_i32 = arith.constant 0 : i32
    %c0_i32_0 = arith.constant 0 : i32
    %c0_i32_1 = arith.constant 0 : i32
    return %c0_i32, %c0_i32_0 : i32, i32
  }
  func.func @transform_6(%arg0: i32) -> (i32, i32) {
    %c0_i32 = arith.constant 0 : i32
    %c0_i32_0 = arith.constant 0 : i32
    %c0_i32_1 = arith.constant 0 : i32
    return %c0_i32, %c0_i32_0 : i32, i32
  }
  func.func @transform_7(%arg0: i32) -> (i32, i32) {
    %c0_i32 = arith.constant 0 : i32
    %c0_i32_0 = arith.constant 0 : i32
    return %arg0, %c0_i32 : i32, i32
  }
  func.func @transform_8(%arg0: i32) -> (i32, i32) {
    %c0_i32 = arith.constant 0 : i32
    %c0_i32_0 = arith.constant 0 : i32
    return %arg0, %c0_i32 : i32, i32
  }
}

</mosaic_0001>

<sc_bundles>
// kernel: kernel.4.cloned.1.call-start
scs
__scs_entry_jumppad:
0x0: {  	(pc) =	sbr.rel $0x88, $3  }
0x1: {  	(tag) =	ssettag $0x0;
	lr =	simm.s32 $0x1  }
0x2: {  	[smem:$0x3F93] =	sst lr;
	_ =	strace $0xD0000000  }
0x3: {  	_ = 	snop  }
0x4: {  	_ = 	snop  }
0x5: {  	_ = 	snop  }
0x6: {  	_ = 	snop  }
0x7: {  	_ = 	snop  }
__scs_overlays_trampoline_lowered:
0x8: {  	[smem:$0x3FA2] =	sst s0  }
0x9: {  	[smem:$0x3FA3] =	sst s1  }
0xa: {  	[smem:$0x3FA4] =	sst s2  }
0xb: {  	[smem:$0x3FA5] =	sst s3  }
0xc: {  	[smem:$0x3FA6] =	sst s4  }
0xd: {  	[smem:$0x3FA7] =	sst s5  }
0xe: {  	[smem:$0x3FA8] =	sst s6  }
0xf: {  	[smem:$0x3FA9] =	sst s7  }
0x10: {  	[smem:$0x3FAA] =	sst s8  }
0x11: {  	[smem:$0x3FAB] =	sst s9;
	s0 =	simm.s32 @!p0 $0x0  }
0x12: {  	s1 =	sld [smem:$0x3F91];
	s0 =	simm.s32 @p0 $0x1  }
0x13: {  	[smem:$0x3FAC] =	sst s0;
	s0 =	simm.s32 @!p1 $0x0  }
0x14: {  	s2 =	sld [smem:$0x3F90];
	s0 =	simm.s32 @p1 $0x1  }
0x15: {  	[smem:$0x3FAD] =	sst s0;
	s0 =	simm.s32 @!p2 $0x0  }
0x16: {  	s3 =	sld [smem:$0x3FDB];
	s0 =	simm.s32 @p2 $0x1  }
0x17: {  	s4 =	simm.s32 $0x1BF5;
	[smem:$0x3FAF] =	sst s0  }
0x18: {  	s0 =	sld [smem:$0x3F92];
	_ =	swait.ge [sflag:s4], $0x0  }
0x19: {  	s7 =	sld [smem:$0x3F93]  }
0x1a: {  	s8 =	sadd.s32 $0xFFFFE003, lr  }
0x1b: {  	s9 =	sadd.s32 $0xFFFFFEF7, lr;
	s5 =	simm.s32 $0xFFFFFFFF;
	p2 =	slt.u32 s8, $0xFFFFF086  }
0x1c: {  	p1 =	slt.u32 s9, $0xF7A;
	s5 =	simm.s32 @!p2 $0x0  }
0x1d: {  	s5 =	simm.s32 @p1 $0x1;
	p0 =	seq.s32 s7, s2  }
0x1e: {  	s7 =	smul.u32 @!p0 $0xF7A, s2;
	p2 =	seq.s32 @!p0 s5, $0x0  }
0x1f: {  	s9 =	smul.u32 $0xF7A, s1;
	s8 =	simm.s32 @!p0 $0x1BF5;
	p2 =	por !p2, p0  }
0x20: {  	[sflag:s8] =	ssyncset.s32 @!p0 $0xFFFFF086;
	s6 =	sadd.s32 @!p0 s3, s7;
	s7 =	simm.s32 @!p0 $0x108  }
0x21: {  	s3 =	sadd.s32 s3, s9;
	s6 =	sadd.s32 @!p0 $0x88, s6;
	s7 =	simm.s32 @p2 $0x1082  }
0x22: {  	[simem:s7], [sflag:s8] =	dma.local @!p0 [hbm:s6], $0xF7A  }
0x23: {  	s9 =	sor.u32 $0xD0000000, s2;
	s6 =	simm.s32 $0x108;
	_ =	swait.ge @!p0 [sflag:s8], $0x0  }
0x24: {  	s3 =	sadd.s32 $0x88, s3;
	s6 =	simm.s32 @!p1 $0x1082;
	[sflag:s4] =	ssyncset.s32 $0xFFFFF086  }
0x25: {  	[simem:s6], [sflag:s4] =	dma.local [hbm:s3], $0xF7A  }
0x26: {  	[smem:$0x3F93] =	sst s1;
	(tag) =	ssettag s2;
	_ =	strace s9  }
0x27: {  	s1 =	sld [smem:$0x3FA3]  }
0x28: {  	s2 =	sld [smem:$0x3FA4]  }
0x29: {  	s4 =	sld [smem:$0x3FA6]  }
0x2a: {  	p0 =	seq.s32 s5, $0x0;
	s5 =	sld [smem:$0x3FA7]  }
0x2b: {  	s6 =	sld [smem:$0x3FA8]  }
0x2c: {  	s7 =	sld [smem:$0x3FA9]  }
0x2d: {  	s3 =	simm.s32 $0x108;
	s8 =	sld [smem:$0x3FAA]  }
0x2e: {  	s3 =	simm.s32 @!p0 $0x1082;
	s9 =	sld [smem:$0x3FAB]  }
0x2f: {  	lr =	sadd.s32 s0, s3;
	s0 =	sld [smem:$0x3FA2]  }
0x30: {  	s3 =	sld [smem:$0x3FA5]  }
0x31: {  	[smem:$0x3FAE] =	sst s10  }
0x32: {  	s10 =	sld [smem:$0x3FAC];
	_ =	sdelay $0x3  }
0x33: {  	p0 =	seq.s32 s10, $0x1;
	s10 =	sld [smem:$0x3FAE];
	_ =	sdelay $0x3  }
0x34: {  	[smem:$0x3FAE] =	sst s10  }
0x35: {  	s10 =	sld [smem:$0x3FAD];
	_ =	sdelay $0x3  }
0x36: {  	p1 =	seq.s32 s10, $0x1;
	s10 =	sld [smem:$0x3FAE];
	_ =	sdelay $0x3  }
0x37: {  	[smem:$0x3FAE] =	sst s10  }
0x38: {  	s10 =	sld [smem:$0x3FAF]  }
0x39: {  	_ = 	snop;
	(pc) =	sbr.ind lr, $3  }
0x3a: {  	_ = 	snop  }
0x3b: {  	_ = 	snop  }
0x3c: {  	p2 =	seq.s32 s10, $0x1;
	s10 =	sld [smem:$0x3FAE]  }
0x3d: {  	_ =	shalt  }
0x3e: {  	_ =	shalt  }
0x3f: {  	_ =	shalt  }
0x40: {  	_ =	shalt  }
0x41: {  	_ =	shalt  }
0x42: {  	_ =	shalt  }
0x43: {  	_ =	shalt  }
0x44: {  	_ =	shalt  }
0x45: {  	_ =	shalt  }
0x46: {  	_ =	shalt  }
0x47: {  	_ =	shalt  }
0x48: {  	_ =	shalt  }
0x49: {  	_ =	shalt  }
0x4a: {  	_ =	shalt  }
0x4b: {  	_ =	shalt  }
0x4c: {  	_ =	shalt  }
0x4d: {  	_ =	shalt  }
0x4e: {  	_ =	shalt  }
0x4f: {  	_ =	shalt  }
0x50: {  	_ =	shalt  }
0x51: {  	_ =	shalt  }
0x52: {  	_ =	shalt  }
0x53: {  	_ =	shalt  }
0x54: {  	_ =	shalt  }
0x55: {  	_ =	shalt  }
0x56: {  	_ =	shalt  }
0x57: {  	_ =	shalt  }
0x58: {  	_ =	shalt  }
0x59: {  	_ =	shalt  }
0x5a: {  	_ =	shalt  }
0x5b: {  	_ =	shalt  }
0x5c: {  	_ =	shalt  }
0x5d: {  	_ =	shalt  }
0x5e: {  	_ =	shalt  }
0x5f: {  	_ =	shalt  }
0x60: {  	_ =	shalt  }
0x61: {  	_ =	shalt  }
0x62: {  	_ =	shalt  }
0x63: {  	_ =	shalt  }
0x64: {  	_ =	shalt  }
0x65: {  	_ =	shalt  }
0x66: {  	_ =	shalt  }
0x67: {  	_ =	shalt  }
0x68: {  	_ =	shalt  }
0x69: {  	_ =	shalt  }
0x6a: {  	_ =	shalt  }
0x6b: {  	_ =	shalt  }
0x6c: {  	_ =	shalt  }
0x6d: {  	_ =	shalt  }
0x6e: {  	_ =	shalt  }
0x6f: {  	_ =	shalt  }
0x70: {  	_ =	shalt  }
0x71: {  	_ =	shalt  }
0x72: {  	_ =	shalt  }
0x73: {  	_ =	shalt  }
0x74: {  	_ =	shalt  }
0x75: {  	_ =	shalt  }
0x76: {  	_ =	shalt  }
0x77: {  	_ =	shalt  }
0x78: {  	_ =	shalt  }
0x79: {  	_ =	shalt  }
0x7a: {  	_ =	shalt  }
0x7b: {  	_ =	shalt  }
0x7c: {  	_ =	shalt  }
0x7d: {  	_ =	shalt  }
0x7e: {  	_ =	shalt  }
0x7f: {  	_ =	shalt  }
0x80: {  	_ =	shalt  }
0x81: {  	_ =	shalt  }
0x82: {  	_ =	shalt  }
0x83: {  	_ =	shalt  }
0x84: {  	_ =	shalt  }
0x85: {  	_ =	shalt  }
0x86: {  	_ =	shalt  }
0x87: {  	_ =	shalt  }
.Lfunc_end0:
.L_simem_size_0:
called_computation_lowered:
.L_overlay_start_0:
0x88: {  	s2 =	sld [smem:$0x3FD9]  }
0x89: {  	s3 =	sld [smem:$0x3FFE];
	_ =	sdelay $0x1  }
0x8a: {  	s1 =	srdreg.scid  }
0x8b: {  	s0 =	sand.u32 $0x1, s1  }
0x8c: {  	s14 =	sshll.u32 s0, $0xA;
	s2 =	sadd.s32 s3, s2  }
0x8d: {  	s2 =	sadd.s32 s2, s14  }
0x8e: {  	[smem:$0x3FBA] =	sst s2  }
0x8f: {  	_ = 	snop  }
0x90: {  	s2 =	sld [smem:$0x3FD0];
	_ =	sdelay $0x2  }
0x91: {  	s15 =	simm.s32 $0xA;
	s4 =	simm.s32 $0x10  }
0x92: {  	[smem:s4], [sflag:s15] =	dma.local [hbm:s2], $0x1  }
0x93: {  	_ =	swait.eq [sflag:s15], $0x1  }
0x94: {  	[sflag:s15] =	ssyncset.done $0x0  }
0x95: {  	[sflag:s15] =	ssyncadd.s32 $0xFFFFFFFF  }
0x96: {  	s16 =	sld [smem:$0x11];
	(tm) =	ssettm $0x1  }
0x97: {  	s17 =	sld [smem:$0x3FFB];
	_ =	sdelay $0x3  }
0x98: {  	_ =	strace s17  }
0x99: {  	s3 =	sld [smem:$0x3FFC];
	_ =	sdelay $0x3  }
0x9a: {  	_ =	strace s3  }
0x9b: {  	s3 =	sld [smem:$0x3FFD];
	_ =	sdelay $0x3  }
0x9c: {  	_ =	strace s3  }
0x9d: {  	_ =	strace $0x8FFFFFFF  }
0x9e: {  	s18 =	sld [smem:$0x3FDB];
	_ =	sdelay $0x1  }
0x9f: {  	s19 =	simm.s32 $_scs_section_size  }
0xa0: {  	s5 =	simm.s32 $_size__tile_overlayer_lowered;
	s6 =	simm.s32 $_tile_overlayer_lowered  }
0xa1: {  	s22 =	simm.s32 $0x1BFF;
	s21 =	sshll.u32 s6, $0x1;
	s3 =	sadd.s32 s19, s18  }
0xa2: {  	s7 =	simm.s32 $0x0;
	s20 =	sshll.u32 s5, $0x1;
	s5 =	sadd.s32 s21, s3  }
0xa3: {  	[timem:s7], [sflag:s22] =	dma.local [hbm:s5], s20  }
0xa4: {  	_ =	swait.ge [sflag:s22], s20  }
0xa5: {  	s4 =	ssub.s32 $0x0, s20;
	[sflag:s22] =	ssyncset.done $0x0  }
0xa6: {  	[sflag:s22] =	ssyncadd.s32 s4;
	_ =	sdelay $0x1  }
0xa7: {  	s23 =	simm.s32 $0x1B8B  }
0xa8: {  	_ =	swait.ge [sflag:s23], $0x1  }
0xa9: {  	[sflag:s23] =	ssyncset.done $0x0  }
0xaa: {  	s25 =	simm.s32 $0x1B8E;
	s24 =	sld [smem:$0x3FFE];
	[sflag:s23] =	ssyncadd.s32 $0xFFFFFFFF  }
0xab: {  	s26 =	simm.s32 $execute0_lowered;
	[smem:$0x3FD2] =	sst s25  }
0xac: {  	s5 =	sshll.u32 s26, $0x1;
	_ =	strace $0x80000046;
	[dreg:$0x1] =	wrdreg $0xFFFFFFFF  }
0xad: {  	s28 =	simm.s32 $_size_execute0_lowered;
	s3 =	sadd.s32 s3, s5;
	[dreg:$0x0] =	wrdreg $0x0  }
0xae: {  	s5 =	sshll.u32 s28, $0x1;
	[dreg:$0x2] =	wrdreg s3  }
0xaf: {  	[dreg:$0x3] =	wrdreg s5  }
0xb0: {  	[dreg:$0x4] =	wrdreg $0xC0  }
0xb1: {  	_ =	task [dreg:s7], $0x5FFFF  }
0xb2: {  	[dreg:$0x1] =	wrdreg $0xFFFFFFFF  }
0xb3: {  	[dreg:$0x0] =	wrdreg $0x60  }
0xb4: {  	[dreg:$0x2] =	wrdreg s24  }
0xb5: {  	[dreg:$0x3] =	wrdreg s16  }
0xb6: {  	[dreg:$0x4] =	wrdreg $0x9  }
0xb7: {  	_ =	task.clear_ibuf [dreg:s7], $0x5FFFF;
	_ =	strace $0x90000046  }
0xb8: {  	s29 =	simm.s32 $0x9;
	_ =	strace $0x80000048  }
0xb9: {  	_ =	swait.ge [sflag:s29], $0x1  }
0xba: {  	[sflag:s29] =	ssyncadd.s32 $0xFFFFFFFF  }
0xbb: {  	_ =	strace $0x90000048  }
0xbc: {  	_ =	sfence  }
0xbd: {  	s30 =	sld [smem:$0x0];
	_ =	sdelay $0x2  }
0xbe: {  	s31 =	sshll.u32 s1, $0xD;
	s1 =	sshrl.u32 s1, $0x2  }
0xbf: {  	s3 =	sand.u32 $0x4000, s31;
	s1 =	sadd.s32 s1, s30  }
0xc0: {  	s0 =	sor.u32 s3, s0;
	s1 =	sshll.u32 s1, $0x11  }
0xc1: {  	s0 =	sor.u32 s1, s0  }
0xc2: {  	s0 =	sadd.s32 $0x8F2B, s0  }
0xc3: {  	[sflag:s0] =	ssyncadd.remote.s32 $0x1  }
0xc4: {  	_ =	sfence.sel $0xFFFF  }
0xc5: {  	[dreg:$0x0] =	wrdreg $0xFFFFFFFF;
	(pc) =	sbr.abs _section_cstart, $3  }
0xc6: {  	[dreg:$0x1] =	wrdreg $0xFFFFFFFF  }
0xc7: {  	_ =	task.clear_ibuf [dreg:s7], $0x2FFFF;
	_ =	strace $0x9FFFFFFF  }
0xc8: {  	(tm) =	ssettm $0x7FFFFFFF  }
0xc9: {  	_ =	shalt  }
tec
execute0_lowered:
.L_overlay_start_1:
0x0: {  	(tag) =	ssettag $0x1  }
0x1: {  	s0 =	srdreg.scid  }
0x2: {  	s2 =	stileid.u32;
	s1 =	rddreg [dreg:$0x0]  }
0x3: {  	s5 =	rddreg [dreg:$0x1];
	s8 =	simm.s32 $0x68;
	s10 =	simm.s32 $0x60  }
0x4: {  	s14 =	simm.s32 $0x130;
	s15 =	simm.s32 $0xB000;
	s16 =	simm.s32 $0x190  }
0x5: {  	s17 =	simm.s32 $0xC800;
	s18 =	simm.s32 $0x1F8;
	s19 =	simm.s32 $0xE200  }
0x6: {  	s20 =	simm.s32 $0x258;
	s21 =	simm.s32 $0xFA00;
	s22 =	simm.s32 $0x2C0  }
0x7: {  	s23 =	simm.s32 $0x11400;
	s24 =	simm.s32 $0x2;
	s25 =	simm.s32 $0x3  }
0x8: {  	s28 =	simm.s32 $0x5;
	s29 =	simm.s32 $0x12C00;
	s0 =	sand.u32 $0x1, s0  }
0x9: {  	s30 =	simm.s32 $0x6;
	s2 =	sshll.u32 s2, $0x8;
	s3 =	sshll.u32 s0, $0x7  }
0xa: {  	s31 =	simm.s32 $0x0;
	s0 =	ssub.s32 $0x2, s0;
	s4 =	sor.u32 s3, s2  }
.Ltmp0:
0xb: {  	s2 =	simm.s32 $0x0;
	s7 =	sshrl.u32 s0, $0x1;
	(pc) =	sbr.rel .LBB2_1-.Ltmp0, $4  }
0xc: {  	s3 =	smul.u32 $0x19, s4;
	[smem:$0x7FF] =	sst s2;
	s0 =	ssub.s32 s0, s7  }
0xd: {  	s26 =	sshll.u32 s4, $0x3;
	s7 =	simm.s32 $0x1;
	_ =	strace $0x80000047  }
0xe: {  	s5 =	sadd.s32 s5, s26;
	s26 =	simm.s32 $0x4;
	s6 =	sadd.s32 s3, s1  }
0xf: {  	s3 =	sadd.s32 $0x1A1C00, s1;
	s4 =	sadd.s32 $0x2000, s6;
	s6 =	smax.u32 s0, $0x1  }
.LBB2_12:
0x10: {  	s31 =	sadd.s32 $0x1, s31  }
0x11: {  	p0 =	sne.s32 s31, s6  }
.Ltmp1:
0x12: {  	_ = 	snop;
	(pc) =	sbr.rel @!p0 .LBB2_13-.Ltmp1, $4  }
0x13: {  	[hbm4b:s5+s2] =	stream.linear.scatter [tilespmem:s29], [sflag:$0x6], $0x2000, $0x38;
	[tilespmem:$0x14C00] =	vst v63  }
0x14: {  	_ =	swait.ge [sflag:s30], $0x2000  }
0x15: {  	[sflag:s30] =	ssyncset.done $0x0  }
0x16: {  	[sflag:s30] =	ssyncadd.s32 $0xFFFFE000  }
.LBB2_1:
0x17: {  	[tilespmem:s2], [sflag:$0x1] =	stream.linear.gather [hbm4b:s4+s2], $0x6400, $0x38;
	[tilespmem:$0x14C00] =	vst v63  }
0x18: {  	_ =	swait.ge [sflag:s7], $0x6400  }
0x19: {  	[sflag:s7] =	ssyncset.done $0x0  }
0x1a: {  	s0 =	simm.s32 $0x6400;
	[sflag:s7] =	ssyncadd.s32 $0xFFFF9C00  }
0x1b: {  	[tilespmem:s0], [sflag:$0x2] =	stream.indirect.gather [hbm4b:s3+s8], $0x40, s2, s8, $0xb8;
	[tilespmem:$0x14C00] =	vst v63  }
0x1c: {  	s12 =	simm.s32 $0x7E00  }
0x1d: {  	[tilespmem:s12], [sflag:$0x2] =	stream.indirect.gather [hbm4b:s3+s10], $0x40, s8, s10, $0xb8;
	[tilespmem:$0x14C00] =	vst v63  }
0x1e: {  	s13 =	simm.s32 $0xC8;
	s1 =	simm.s32 $0x9600  }
0x1f: {  	[tilespmem:s1], [sflag:$0x3] =	stream.indirect.gather [hbm4b:s3+s8], $0x40, s13, s8, $0xb8;
	[tilespmem:$0x14C00] =	vst v63  }
0x20: {  	_ = 	snop  }
0x21: {  	[tilespmem:s15], [sflag:$0x3] =	stream.indirect.gather [hbm4b:s3+s10], $0x40, s14, s10, $0xb8;
	[tilespmem:$0x14C00] =	vst v63  }
0x22: {  	_ = 	snop  }
0x23: {  	[tilespmem:s17], [sflag:$0x4] =	stream.indirect.gather [hbm4b:s3+s8], $0x40, s16, s8, $0xb8;
	[tilespmem:$0x14C00] =	vst v63  }
0x24: {  	_ = 	snop  }
0x25: {  	[tilespmem:s19], [sflag:$0x4] =	stream.indirect.gather [hbm4b:s3+s10], $0x40, s18, s10, $0xb8;
	[tilespmem:$0x14C00] =	vst v63  }
0x26: {  	_ = 	snop  }
0x27: {  	[tilespmem:s21], [sflag:$0x5] =	stream.indirect.gather [hbm4b:s3+s8], $0x40, s20, s8, $0xb8;
	[tilespmem:$0x14C00] =	vst v63  }
0x28: {  	s1 =	simm.s32 $0x0  }
0x29: {  	[tilespmem:s23], [sflag:$0x5] =	stream.indirect.gather [hbm4b:s3+s10], $0x40, s22, s10, $0xb8;
	[tilespmem:$0x14C00] =	vst v63  }
.LBB2_2:
0x2a: {  	_ =	swait.ge [sflag:s24], $0x1A00  }
0x2b: {  	[sflag:s24] =	ssyncset.done $0x0  }
0x2c: {  	[sflag:s24] =	ssyncadd.s32 $0xFFFFE600  }
0x2d: {  	_ =	swait.ge [sflag:s24], $0x1800  }
0x2e: {  	[sflag:s24] =	ssyncset.done $0x0  }
0x2f: {  	s9 =	simm.s32 $0x6500;
	[sflag:s24] =	ssyncadd.s32 $0xFFFFE800  }
0x30: {  	v0 =	vld [tilespmem:s9+$0xC0]  }
0x31: {  	v1 =	vld [tilespmem:s9+$0xD0]  }
0x32: {  	v2 =	vld [tilespmem:s9+$0x80]  }
0x33: {  	v3 =	vld [tilespmem:s9+$0x90]  }
0x34: {  	v9 =	vld [tilespmem:s9+$0x40]  }
0x35: {  	v12 =	vld [tilespmem:s9+$0x50]  }
0x36: {  	v5 =	vld [tilespmem:s9+$0x0]  }
0x37: {  	v8 =	vld [tilespmem:s9+$0x10]  }
0x38: {  	v6 =	vld [tilespmem:s9+$0xFFFFFFC0]  }
0x39: {  	v7 =	vld [tilespmem:s9+$0xFFFFFFD0]  }
0x3a: {  	v4 =	vld [tilespmem:s9+$0xFFFFFF80]  }
0x3b: {  	v10 =	vld [tilespmem:s9+$0xFFFFFF90]  }
0x3c: {  	v11 =	vld [tilespmem:s9+$0xFFFFFF40]  }
0x3d: {  	v13 =	vld [tilespmem:s9+$0xFFFFFF50]  }
0x3e: {  	v14 =	vld [tilespmem:s9+$0xFFFFFF00]  }
0x3f: {  	v15 =	vld [tilespmem:s9+$0xFFFFFF10]  }
0x40: {  	v16 =	vld [tilespmem:s9+$0xFFFFFF20]  }
0x41: {  	v17 =	vld [tilespmem:s9+$0xFFFFFF30]  }
0x42: {  	v18 =	vld [tilespmem:s9+$0xFFFFFF60]  }
0x43: {  	v19 =	vld [tilespmem:s9+$0xFFFFFF70]  }
0x44: {  	v20 =	vimm.f32 $0.0e+00;
	v21 =	vld [tilespmem:s9+$0xFFFFFFA0]  }
0x45: {  	v22 =	vld [tilespmem:s9+$0xFFFFFFB0];
	v14 =	vadd.f32 v14, v20;
	v15 =	vadd.f32 v15, v20  }
0x46: {  	v59 =	vld [tilespmem:s9+$0xFFFFFFE0];
	v16 =	vadd.f32 v16, v20;
	v17 =	vadd.f32 v17, v20  }
0x47: {  	v11 =	vadd.f32 v11, v14;
	v13 =	vadd.f32 v13, v15;
	v14 =	vld [tilespmem:s9+$0xFFFFFFF0]  }
0x48: {  	v61 =	vld [tilespmem:s9+$0x20];
	v15 =	vadd.f32 v18, v16;
	v60 =	vadd.f32 v19, v17  }
0x49: {  	v11 =	vadd.f32 v4, v11;
	v10 =	vadd.f32 v10, v13;
	v13 =	vld [tilespmem:s9+$0x30]  }
0x4a: {  	v15 =	vadd.f32 v21, v15;
	v16 =	vadd.f32 v22, v60;
	v4 =	vld [tilespmem:s9+$0x60]  }
0x4b: {  	v11 =	vadd.f32 v6, v11;
	v10 =	vadd.f32 v7, v10;
	v7 =	vld [tilespmem:s9+$0x70]  }
0x4c: {  	v15 =	vadd.f32 v59, v15;
	v6 =	vld [tilespmem:s9+$0xA0];
	v14 =	vadd.f32 v14, v16  }
0x4d: {  	v62 =	vadd.f32 v5, v11;
	v63 =	vadd.f32 v8, v10;
	v8 =	vld [tilespmem:s9+$0xB0]  }
0x4e: {  	v11 =	vadd.f32 v61, v15;
	v5 =	vld [tilespmem:s9+$0xE0];
	v10 =	vadd.f32 v13, v14  }
0x4f: {  	s0 =	simm.s32 $0x0;
	v13 =	vadd.f32 v9, v62;
	v12 =	vadd.f32 v12, v63;
	v9 =	vld [tilespmem:s9+$0xF0];
	s9 =	simm.s32 $0x6700  }
.LBB2_3:
0x50: {  	v14 =	vld [tilespmem:s9+$0xC0];
	v4 =	vadd.f32 v4, v11;
	v7 =	vadd.f32 v7, v10  }
0x51: {  	v10 =	vld [tilespmem:s9+$0xD0];
	v11 =	vadd.f32 v2, v13;
	v12 =	vadd.f32 v3, v12  }
0x52: {  	v2 =	vld [tilespmem:s9+$0x80];
	v4 =	vadd.f32 v6, v4;
	v6 =	vadd.f32 v8, v7  }
0x53: {  	v3 =	vld [tilespmem:s9+$0x90];
	v7 =	vadd.f32 v0, v11;
	v8 =	vadd.f32 v1, v12  }
0x54: {  	v12 =	vld [tilespmem:s9+$0x40];
	v4 =	vadd.f32 v5, v4;
	v5 =	vadd.f32 v9, v6  }
0x55: {  	v9 =	vld [tilespmem:s9+$0x50];
	v0 =	vmov v14  }
0x56: {  	v11 =	vld [tilespmem:s9+$0x0];
	v1 =	vmov v10  }
0x57: {  	v10 =	vld [tilespmem:s9+$0x10]  }
0x58: {  	v6 =	vld [tilespmem:s9+$0xFFFFFFC0]  }
0x59: {  	v13 =	vld [tilespmem:s9+$0xFFFFFFD0]  }
0x5a: {  	v14 =	vld [tilespmem:s9+$0xFFFFFF80]  }
0x5b: {  	v15 =	vld [tilespmem:s9+$0xFFFFFF90]  }
0x5c: {  	v16 =	vld [tilespmem:s9+$0xFFFFFF40]  }
0x5d: {  	v17 =	vld [tilespmem:s9+$0xFFFFFF50]  }
0x5e: {  	v18 =	vld [tilespmem:s9+$0xFFFFFF00]  }
0x5f: {  	v19 =	vld [tilespmem:s9+$0xFFFFFF10]  }
0x60: {  	v20 =	vld [tilespmem:s9+$0xFFFFFF20]  }
0x61: {  	s0 =	sadd.s32 $0x8, s0;
	v21 =	vld [tilespmem:s9+$0xFFFFFF30]  }
0x62: {  	p0 =	slt.u32 s0, $0xC0;
	v22 =	vld [tilespmem:s9+$0xFFFFFF60]  }
0x63: {  	v23 =	vld [tilespmem:s9+$0xFFFFFF70]  }
0x64: {  	v24 =	vld [tilespmem:s9+$0xFFFFFFA0]  }
0x65: {  	v7 =	vadd.f32 v18, v7;
	v8 =	vadd.f32 v19, v8;
	v18 =	vld [tilespmem:s9+$0xFFFFFFB0]  }
0x66: {  	v4 =	vadd.f32 v20, v4;
	v5 =	vadd.f32 v21, v5;
	v19 =	vld [tilespmem:s9+$0xFFFFFFE0]  }
0x67: {  	v7 =	vadd.f32 v16, v7;
	v8 =	vadd.f32 v17, v8;
	v16 =	vld [tilespmem:s9+$0xFFFFFFF0]  }
0x68: {  	v4 =	vadd.f32 v22, v4;
	v5 =	vadd.f32 v23, v5;
	v17 =	vld [tilespmem:s9+$0x20]  }
0x69: {  	v7 =	vadd.f32 v14, v7;
	v8 =	vadd.f32 v15, v8;
	v14 =	vld [tilespmem:s9+$0x30]  }
0x6a: {  	v15 =	vadd.f32 v24, v4;
	v5 =	vadd.f32 v18, v5;
	v4 =	vld [tilespmem:s9+$0x60]  }
.Ltmp2:
0x6b: {  	v18 =	vadd.f32 v6, v7;
	v8 =	vadd.f32 v13, v8;
	v7 =	vld [tilespmem:s9+$0x70];
	(pc) =	sbr.rel @p0 .LBB2_3-.Ltmp2, $4  }
0x6c: {  	v13 =	vadd.f32 v19, v15;
	v5 =	vadd.f32 v16, v5;
	v6 =	vld [tilespmem:s9+$0xA0]  }
0x6d: {  	v15 =	vadd.f32 v11, v18;
	v16 =	vadd.f32 v10, v8;
	v8 =	vld [tilespmem:s9+$0xB0]  }
0x6e: {  	v11 =	vadd.f32 v17, v13;
	v10 =	vadd.f32 v14, v5;
	v5 =	vld [tilespmem:s9+$0xE0]  }
0x6f: {  	v13 =	vadd.f32 v12, v15;
	v12 =	vadd.f32 v9, v16;
	v9 =	vld [tilespmem:s9+$0xF0];
	s9 =	sadd.s32 $0x200, s9  }
0x70: {  	_ = 	snop  }
0x71: {  	v4 =	vadd.f32 v4, v11;
	v2 =	vadd.f32 v2, v13  }
0x72: {  	v7 =	vadd.f32 v7, v10;
	v3 =	vadd.f32 v3, v12  }
0x73: {  	s0 =	sshll.u32 s1, $0x8;
	v4 =	vadd.f32 v6, v4;
	v0 =	vadd.f32 v0, v2  }
0x74: {  	p0 =	seq.s32 s1, $0x1F;
	s0 =	sand.u32 $0x3FFFFF00, s0;
	v2 =	vadd.f32 v8, v7;
	v1 =	vadd.f32 v1, v3  }
0x75: {  	s9 =	smul.u32 @!p0 $0xC80, s1;
	v3 =	vadd.f32 v5, v4;
	[tilespmem:s0+$0x12C00] =	vst v0  }
0x76: {  	v0 =	vadd.f32 v9, v2;
	[tilespmem:s0+$0x12C10] =	vst v1  }
0x77: {  	s9 =	sshra.s32 @!p0 s9, $0x2;
	[tilespmem:s0+$0x12C20] =	vst v3  }
0x78: {  	s12 =	simm.s32 @!p0 $0x68;
	s13 =	simm.s32 @!p0 $0x6400;
	s11 =	sadd.s32 @!p0 $0x320, s9;
	[tilespmem:s0+$0x12C30] =	vst v0  }
0x79: {  	[tilespmem:s13], [sflag:$0x2] =	stream.indirect.gather @!p0 [hbm4b:s3+s12], $0x40, s11, s12, $0xb8;
	[tilespmem:$0x14C00] =	vst v63  }
0x7a: {  	s11 =	sadd.s32 @!p0 $0x388, s9;
	s12 =	simm.s32 @!p0 $0x60;
	s13 =	simm.s32 @!p0 $0x7E00  }
0x7b: {  	[tilespmem:s13], [sflag:$0x2] =	stream.indirect.gather @!p0 [hbm4b:s3+s12], $0x40, s11, s12, $0xb8;
	[tilespmem:$0x14C00] =	vst v63  }
0x7c: {  	_ =	swait.ge [sflag:s25], $0x1A00  }
0x7d: {  	[sflag:s25] =	ssyncset.done $0x0  }
0x7e: {  	[sflag:s25] =	ssyncadd.s32 $0xFFFFE600  }
0x7f: {  	_ =	swait.ge [sflag:s25], $0x1800  }
0x80: {  	[sflag:s25] =	ssyncset.done $0x0  }
0x81: {  	s13 =	simm.s32 $0x97F0;
	[sflag:s25] =	ssyncadd.s32 $0xFFFFE800  }
0x82: {  	v0 =	vld [tilespmem:s13+$0xFFFFFFD0]  }
0x83: {  	v1 =	vld [tilespmem:s13+$0xFFFFFFE0]  }
0x84: {  	v2 =	vld [tilespmem:s13+$0xFFFFFF90]  }
0x85: {  	v3 =	vld [tilespmem:s13+$0xFFFFFFA0]  }
0x86: {  	v9 =	vld [tilespmem:s13+$0xFFFFFF50]  }
0x87: {  	v12 =	vld [tilespmem:s13+$0xFFFFFF60]  }
0x88: {  	v7 =	vld [tilespmem:s13+$0xFFFFFF10]  }
0x89: {  	v8 =	vld [tilespmem:s13+$0xFFFFFF20]  }
0x8a: {  	v5 =	vld [tilespmem:s13+$0xFFFFFED0]  }
0x8b: {  	v6 =	vld [tilespmem:s13+$0xFFFFFEE0]  }
0x8c: {  	v4 =	vld [tilespmem:s13+$0xFFFFFE90]  }
0x8d: {  	v10 =	vld [tilespmem:s13+$0xFFFFFEA0]  }
0x8e: {  	v11 =	vld [tilespmem:s13+$0xFFFFFE50]  }
0x8f: {  	v13 =	vld [tilespmem:s13+$0xFFFFFE60]  }
0x90: {  	v14 =	vld [tilespmem:s13+$0xFFFFFE10]  }
0x91: {  	v15 =	vld [tilespmem:s13+$0xFFFFFE20]  }
0x92: {  	v16 =	vld [tilespmem:s13+$0xFFFFFE30]  }
0x93: {  	v17 =	vld [tilespmem:s13+$0xFFFFFE40]  }
0x94: {  	v18 =	vld [tilespmem:s13+$0xFFFFFE70]  }
0x95: {  	v19 =	vld [tilespmem:s13+$0xFFFFFE80]  }
0x96: {  	v20 =	vimm.f32 $0.0e+00;
	v21 =	vld [tilespmem:s13+$0xFFFFFEB0]  }
0x97: {  	v22 =	vld [tilespmem:s13+$0xFFFFFEC0];
	v14 =	vadd.f32 v14, v20;
	v15 =	vadd.f32 v15, v20  }
0x98: {  	v59 =	vld [tilespmem:s13+$0xFFFFFEF0];
	v16 =	vadd.f32 v16, v20;
	v17 =	vadd.f32 v17, v20  }
0x99: {  	v11 =	vadd.f32 v11, v14;
	v13 =	vadd.f32 v13, v15;
	v14 =	vld [tilespmem:s13+$0xFFFFFF00]  }
0x9a: {  	v61 =	vld [tilespmem:s13+$0xFFFFFF30];
	v15 =	vadd.f32 v18, v16;
	v60 =	vadd.f32 v19, v17  }
0x9b: {  	v11 =	vadd.f32 v4, v11;
	v10 =	vadd.f32 v10, v13;
	v13 =	vld [tilespmem:s13+$0xFFFFFF40]  }
0x9c: {  	v15 =	vadd.f32 v21, v15;
	v16 =	vadd.f32 v22, v60;
	v4 =	vld [tilespmem:s13+$0xFFFFFF70]  }
0x9d: {  	v11 =	vadd.f32 v5, v11;
	v10 =	vadd.f32 v6, v10;
	v6 =	vld [tilespmem:s13+$0xFFFFFF80]  }
0x9e: {  	v15 =	vadd.f32 v59, v15;
	v5 =	vld [tilespmem:s13+$0xFFFFFFB0];
	v14 =	vadd.f32 v14, v16  }
0x9f: {  	v62 =	vadd.f32 v7, v11;
	v63 =	vadd.f32 v8, v10;
	v8 =	vld [tilespmem:s13+$0xFFFFFFC0]  }
0xa0: {  	v11 =	vadd.f32 v61, v15;
	v7 =	vld [tilespmem:s13+$0xFFFFFFF0];
	v10 =	vadd.f32 v13, v14  }
0xa1: {  	s11 =	simm.s32 $0x0;
	s12 =	simm.s32 $0x99F0;
	v13 =	vadd.f32 v9, v62;
	v12 =	vadd.f32 v12, v63;
	v9 =	vld [tilespmem:s13+$0x0]  }
.LBB2_5:
0xa2: {  	v14 =	vld [tilespmem:s12+$0xFFFFFFD0];
	v4 =	vadd.f32 v4, v11;
	v6 =	vadd.f32 v6, v10  }
0xa3: {  	v10 =	vld [tilespmem:s12+$0xFFFFFFE0];
	v11 =	vadd.f32 v2, v13;
	v12 =	vadd.f32 v3, v12  }
0xa4: {  	v2 =	vld [tilespmem:s12+$0xFFFFFF90];
	v4 =	vadd.f32 v5, v4;
	v5 =	vadd.f32 v8, v6  }
0xa5: {  	v3 =	vld [tilespmem:s12+$0xFFFFFFA0];
	v6 =	vadd.f32 v0, v11;
	v8 =	vadd.f32 v1, v12  }
0xa6: {  	v12 =	vld [tilespmem:s12+$0xFFFFFF50];
	v4 =	vadd.f32 v7, v4;
	v5 =	vadd.f32 v9, v5  }
0xa7: {  	v9 =	vld [tilespmem:s12+$0xFFFFFF60];
	v0 =	vmov v14  }
0xa8: {  	v7 =	vld [tilespmem:s12+$0xFFFFFF10];
	v1 =	vmov v10  }
0xa9: {  	v10 =	vld [tilespmem:s12+$0xFFFFFF20]  }
0xaa: {  	v11 =	vld [tilespmem:s12+$0xFFFFFED0]  }
0xab: {  	v13 =	vld [tilespmem:s12+$0xFFFFFEE0]  }
0xac: {  	v14 =	vld [tilespmem:s12+$0xFFFFFE90]  }
0xad: {  	v15 =	vld [tilespmem:s12+$0xFFFFFEA0]  }
0xae: {  	v16 =	vld [tilespmem:s12+$0xFFFFFE50]  }
0xaf: {  	v17 =	vld [tilespmem:s12+$0xFFFFFE60]  }
0xb0: {  	v18 =	vld [tilespmem:s12+$0xFFFFFE10]  }
0xb1: {  	v19 =	vld [tilespmem:s12+$0xFFFFFE20]  }
0xb2: {  	v20 =	vld [tilespmem:s12+$0xFFFFFE30]  }
0xb3: {  	s11 =	sadd.s32 $0x8, s11;
	v21 =	vld [tilespmem:s12+$0xFFFFFE40]  }
0xb4: {  	p1 =	slt.u32 s11, $0xC0;
	v22 =	vld [tilespmem:s12+$0xFFFFFE70]  }
0xb5: {  	v23 =	vld [tilespmem:s12+$0xFFFFFE80]  }
0xb6: {  	v24 =	vld [tilespmem:s12+$0xFFFFFEB0]  }
0xb7: {  	v6 =	vadd.f32 v18, v6;
	v8 =	vadd.f32 v19, v8;
	v18 =	vld [tilespmem:s12+$0xFFFFFEC0]  }
0xb8: {  	v4 =	vadd.f32 v20, v4;
	v5 =	vadd.f32 v21, v5;
	v19 =	vld [tilespmem:s12+$0xFFFFFEF0]  }
0xb9: {  	v6 =	vadd.f32 v16, v6;
	v8 =	vadd.f32 v17, v8;
	v16 =	vld [tilespmem:s12+$0xFFFFFF00]  }
0xba: {  	v4 =	vadd.f32 v22, v4;
	v5 =	vadd.f32 v23, v5;
	v17 =	vld [tilespmem:s12+$0xFFFFFF30]  }
0xbb: {  	v6 =	vadd.f32 v14, v6;
	v8 =	vadd.f32 v15, v8;
	v14 =	vld [tilespmem:s12+$0xFFFFFF40]  }
0xbc: {  	v15 =	vadd.f32 v24, v4;
	v5 =	vadd.f32 v18, v5;
	v4 =	vld [tilespmem:s12+$0xFFFFFF70]  }
.Ltmp3:
0xbd: {  	v11 =	vadd.f32 v11, v6;
	v8 =	vadd.f32 v13, v8;
	v6 =	vld [tilespmem:s12+$0xFFFFFF80];
	(pc) =	sbr.rel @p1 .LBB2_5-.Ltmp3, $4  }
0xbe: {  	v13 =	vadd.f32 v19, v15;
	v15 =	vadd.f32 v16, v5;
	v5 =	vld [tilespmem:s12+$0xFFFFFFB0]  }
0xbf: {  	v16 =	vadd.f32 v7, v11;
	v18 =	vadd.f32 v10, v8;
	v8 =	vld [tilespmem:s12+$0xFFFFFFC0]  }
0xc0: {  	v11 =	vadd.f32 v17, v13;
	v10 =	vadd.f32 v14, v15;
	v7 =	vld [tilespmem:s12+$0xFFFFFFF0]  }
0xc1: {  	v13 =	vadd.f32 v12, v16;
	v12 =	vadd.f32 v9, v18;
	v9 =	vld [tilespmem:s12+$0x0];
	s12 =	sadd.s32 $0x200, s12  }
0xc2: {  	_ = 	snop  }
0xc3: {  	v4 =	vadd.f32 v4, v11;
	v2 =	vadd.f32 v2, v13  }
0xc4: {  	v6 =	vadd.f32 v6, v10;
	v3 =	vadd.f32 v3, v12  }
0xc5: {  	v4 =	vadd.f32 v5, v4;
	v0 =	vadd.f32 v0, v2  }
0xc6: {  	v2 =	vadd.f32 v8, v6;
	v1 =	vadd.f32 v1, v3  }
0xc7: {  	v3 =	vadd.f32 v7, v4;
	[tilespmem:s0+$0x12C40] =	vst v0  }
0xc8: {  	v0 =	vadd.f32 v9, v2;
	[tilespmem:s0+$0x12C50] =	vst v1  }
0xc9: {  	[tilespmem:s0+$0x12C60] =	vst v3  }
0xca: {  	s11 =	sadd.s32 @!p0 $0x3E8, s9;
	s12 =	simm.s32 @!p0 $0x68;
	s13 =	simm.s32 @!p0 $0x9600;
	[tilespmem:s0+$0x12C70] =	vst v0  }
0xcb: {  	[tilespmem:s13], [sflag:$0x3] =	stream.indirect.gather @!p0 [hbm4b:s3+s12], $0x40, s11, s12, $0xb8;
	[tilespmem:$0x14C00] =	vst v63  }
0xcc: {  	s11 =	sadd.s32 @!p0 $0x450, s9;
	s12 =	simm.s32 @!p0 $0x60;
	s13 =	simm.s32 @!p0 $0xB000  }
0xcd: {  	[tilespmem:s13], [sflag:$0x3] =	stream.indirect.gather @!p0 [hbm4b:s3+s12], $0x40, s11, s12, $0xb8;
	[tilespmem:$0x14C00] =	vst v63  }
0xce: {  	_ =	swait.ge [sflag:s26], $0x1A00  }
0xcf: {  	[sflag:s26] =	ssyncset.done $0x0  }
0xd0: {  	[sflag:s26] =	ssyncadd.s32 $0xFFFFE600  }
0xd1: {  	_ =	swait.ge [sflag:s26], $0x1800  }
0xd2: {  	[sflag:s26] =	ssyncset.done $0x0  }
0xd3: {  	s13 =	simm.s32 $0xC800;
	[sflag:s26] =	ssyncadd.s32 $0xFFFFE800  }
0xd4: {  	v0 =	vld [tilespmem:s13+$0x1C0]  }
0xd5: {  	v1 =	vld [tilespmem:s13+$0x1D0]  }
0xd6: {  	v2 =	vld [tilespmem:s13+$0x180]  }
0xd7: {  	v3 =	vld [tilespmem:s13+$0x190]  }
0xd8: {  	v9 =	vld [tilespmem:s13+$0x140]  }
0xd9: {  	v12 =	vld [tilespmem:s13+$0x150]  }
0xda: {  	v7 =	vld [tilespmem:s13+$0x100]  }
0xdb: {  	v8 =	vld [tilespmem:s13+$0x110]  }
0xdc: {  	v5 =	vld [tilespmem:s13+$0xC0]  }
0xdd: {  	v6 =	vld [tilespmem:s13+$0xD0]  }
0xde: {  	v4 =	vld [tilespmem:s13+$0x80]  }
0xdf: {  	v10 =	vld [tilespmem:s13+$0x90]  }
0xe0: {  	v11 =	vld [tilespmem:s13+$0x40]  }
0xe1: {  	v13 =	vld [tilespmem:s13+$0x50]  }
0xe2: {  	v14 =	vld [tilespmem:s13+$0x0]  }
0xe3: {  	v15 =	vld [tilespmem:s13+$0x10]  }
0xe4: {  	v16 =	vld [tilespmem:s13+$0x20]  }
0xe5: {  	v17 =	vld [tilespmem:s13+$0x30]  }
0xe6: {  	v18 =	vld [tilespmem:s13+$0x60]  }
0xe7: {  	v19 =	vld [tilespmem:s13+$0x70]  }
0xe8: {  	v20 =	vimm.f32 $0.0e+00;
	v21 =	vld [tilespmem:s13+$0xA0]  }
0xe9: {  	v22 =	vld [tilespmem:s13+$0xB0];
	v14 =	vadd.f32 v14, v20;
	v15 =	vadd.f32 v15, v20  }
0xea: {  	v59 =	vld [tilespmem:s13+$0xE0];
	v16 =	vadd.f32 v16, v20;
	v17 =	vadd.f32 v17, v20  }
0xeb: {  	v11 =	vadd.f32 v11, v14;
	v13 =	vadd.f32 v13, v15;
	v14 =	vld [tilespmem:s13+$0xF0]  }
0xec: {  	v61 =	vld [tilespmem:s13+$0x120];
	v15 =	vadd.f32 v18, v16;
	v60 =	vadd.f32 v19, v17  }
0xed: {  	v11 =	vadd.f32 v4, v11;
	v10 =	vadd.f32 v10, v13;
	v13 =	vld [tilespmem:s13+$0x130]  }
0xee: {  	v15 =	vadd.f32 v21, v15;
	v16 =	vadd.f32 v22, v60;
	v4 =	vld [tilespmem:s13+$0x160]  }
0xef: {  	v11 =	vadd.f32 v5, v11;
	v10 =	vadd.f32 v6, v10;
	v6 =	vld [tilespmem:s13+$0x170]  }
0xf0: {  	v15 =	vadd.f32 v59, v15;
	v5 =	vld [tilespmem:s13+$0x1A0];
	v14 =	vadd.f32 v14, v16  }
0xf1: {  	v62 =	vadd.f32 v7, v11;
	v63 =	vadd.f32 v8, v10;
	v8 =	vld [tilespmem:s13+$0x1B0]  }
0xf2: {  	v11 =	vadd.f32 v61, v15;
	v7 =	vld [tilespmem:s13+$0x1E0];
	v10 =	vadd.f32 v13, v14  }
0xf3: {  	s11 =	simm.s32 $0x0;
	s12 =	simm.s32 $0xCA00;
	v13 =	vadd.f32 v9, v62;
	v12 =	vadd.f32 v12, v63;
	v9 =	vld [tilespmem:s13+$0x1F0]  }
.LBB2_7:
0xf4: {  	v14 =	vld [tilespmem:s12+$0x1C0];
	v4 =	vadd.f32 v4, v11;
	v6 =	vadd.f32 v6, v10  }
0xf5: {  	v10 =	vld [tilespmem:s12+$0x1D0];
	v11 =	vadd.f32 v2, v13;
	v12 =	vadd.f32 v3, v12  }
0xf6: {  	v2 =	vld [tilespmem:s12+$0x180];
	v4 =	vadd.f32 v5, v4;
	v5 =	vadd.f32 v8, v6  }
0xf7: {  	v3 =	vld [tilespmem:s12+$0x190];
	v6 =	vadd.f32 v0, v11;
	v8 =	vadd.f32 v1, v12  }
0xf8: {  	v12 =	vld [tilespmem:s12+$0x140];
	v4 =	vadd.f32 v7, v4;
	v5 =	vadd.f32 v9, v5  }
0xf9: {  	v9 =	vld [tilespmem:s12+$0x150];
	v0 =	vmov v14  }
0xfa: {  	v7 =	vld [tilespmem:s12+$0x100];
	v1 =	vmov v10  }
0xfb: {  	v10 =	vld [tilespmem:s12+$0x110]  }
0xfc: {  	v11 =	vld [tilespmem:s12+$0xC0]  }
0xfd: {  	v13 =	vld [tilespmem:s12+$0xD0]  }
0xfe: {  	v14 =	vld [tilespmem:s12+$0x80]  }
0xff: {  	v15 =	vld [tilespmem:s12+$0x90]  }
0x100: {  	v16 =	vld [tilespmem:s12+$0x40]  }
0x101: {  	v17 =	vld [tilespmem:s12+$0x50]  }
0x102: {  	v18 =	vld [tilespmem:s12+$0x0]  }
0x103: {  	v19 =	vld [tilespmem:s12+$0x10]  }
0x104: {  	v20 =	vld [tilespmem:s12+$0x20]  }
0x105: {  	s11 =	sadd.s32 $0x8, s11;
	v21 =	vld [tilespmem:s12+$0x30]  }
0x106: {  	p1 =	slt.u32 s11, $0xC0;
	v22 =	vld [tilespmem:s12+$0x60]  }
0x107: {  	v23 =	vld [tilespmem:s12+$0x70]  }
0x108: {  	v24 =	vld [tilespmem:s12+$0xA0]  }
0x109: {  	v6 =	vadd.f32 v18, v6;
	v8 =	vadd.f32 v19, v8;
	v18 =	vld [tilespmem:s12+$0xB0]  }
0x10a: {  	v4 =	vadd.f32 v20, v4;
	v5 =	vadd.f32 v21, v5;
	v19 =	vld [tilespmem:s12+$0xE0]  }
0x10b: {  	v6 =	vadd.f32 v16, v6;
	v8 =	vadd.f32 v17, v8;
	v16 =	vld [tilespmem:s12+$0xF0]  }
0x10c: {  	v4 =	vadd.f32 v22, v4;
	v5 =	vadd.f32 v23, v5;
	v17 =	vld [tilespmem:s12+$0x120]  }
0x10d: {  	v6 =	vadd.f32 v14, v6;
	v8 =	vadd.f32 v15, v8;
	v14 =	vld [tilespmem:s12+$0x130]  }
0x10e: {  	v15 =	vadd.f32 v24, v4;
	v5 =	vadd.f32 v18, v5;
	v4 =	vld [tilespmem:s12+$0x160]  }
.Ltmp4:
0x10f: {  	v11 =	vadd.f32 v11, v6;
	v8 =	vadd.f32 v13, v8;
	v6 =	vld [tilespmem:s12+$0x170];
	(pc) =	sbr.rel @p1 .LBB2_7-.Ltmp4, $4  }
0x110: {  	v13 =	vadd.f32 v19, v15;
	v15 =	vadd.f32 v16, v5;
	v5 =	vld [tilespmem:s12+$0x1A0]  }
0x111: {  	v16 =	vadd.f32 v7, v11;
	v18 =	vadd.f32 v10, v8;
	v8 =	vld [tilespmem:s12+$0x1B0]  }
0x112: {  	v11 =	vadd.f32 v17, v13;
	v10 =	vadd.f32 v14, v15;
	v7 =	vld [tilespmem:s12+$0x1E0]  }
0x113: {  	v13 =	vadd.f32 v12, v16;
	v12 =	vadd.f32 v9, v18;
	v9 =	vld [tilespmem:s12+$0x1F0];
	s12 =	sadd.s32 $0x200, s12  }
0x114: {  	_ = 	snop  }
0x115: {  	v4 =	vadd.f32 v4, v11;
	v2 =	vadd.f32 v2, v13  }
0x116: {  	v6 =	vadd.f32 v6, v10;
	v3 =	vadd.f32 v3, v12  }
0x117: {  	v4 =	vadd.f32 v5, v4;
	v0 =	vadd.f32 v0, v2  }
0x118: {  	v2 =	vadd.f32 v8, v6;
	v1 =	vadd.f32 v1, v3  }
0x119: {  	v3 =	vadd.f32 v7, v4;
	[tilespmem:s0+$0x12C80] =	vst v0  }
0x11a: {  	v0 =	vadd.f32 v9, v2;
	[tilespmem:s0+$0x12C90] =	vst v1  }
0x11b: {  	[tilespmem:s0+$0x12CA0] =	vst v3  }
0x11c: {  	s11 =	sadd.s32 @!p0 $0x4B0, s9;
	s12 =	simm.s32 @!p0 $0x68;
	s13 =	simm.s32 @!p0 $0xC800;
	[tilespmem:s0+$0x12CB0] =	vst v0  }
0x11d: {  	[tilespmem:s13], [sflag:$0x4] =	stream.indirect.gather @!p0 [hbm4b:s3+s12], $0x40, s11, s12, $0xb8;
	[tilespmem:$0x14C00] =	vst v63  }
0x11e: {  	s9 =	sadd.s32 @!p0 $0x518, s9;
	s11 =	simm.s32 @!p0 $0x60;
	s12 =	simm.s32 @!p0 $0xE200  }
0x11f: {  	[tilespmem:s12], [sflag:$0x4] =	stream.indirect.gather @!p0 [hbm4b:s3+s11], $0x40, s9, s11, $0xb8;
	[tilespmem:$0x14C00] =	vst v63  }
0x120: {  	_ =	swait.ge [sflag:s28], $0x1A00  }
0x121: {  	[sflag:s28] =	ssyncset.done $0x0  }
0x122: {  	[sflag:s28] =	ssyncadd.s32 $0xFFFFE600  }
0x123: {  	_ =	swait.ge [sflag:s28], $0x1800  }
0x124: {  	[sflag:s28] =	ssyncset.done $0x0  }
0x125: {  	s13 =	simm.s32 $0xFA00;
	[sflag:s28] =	ssyncadd.s32 $0xFFFFE800  }
0x126: {  	v0 =	vld [tilespmem:s13+$0x1C0]  }
0x127: {  	v1 =	vld [tilespmem:s13+$0x1D0]  }
0x128: {  	v2 =	vld [tilespmem:s13+$0x180]  }
0x129: {  	v3 =	vld [tilespmem:s13+$0x190]  }
0x12a: {  	v9 =	vld [tilespmem:s13+$0x140]  }
0x12b: {  	v12 =	vld [tilespmem:s13+$0x150]  }
0x12c: {  	v7 =	vld [tilespmem:s13+$0x100]  }
0x12d: {  	v8 =	vld [tilespmem:s13+$0x110]  }
0x12e: {  	v5 =	vld [tilespmem:s13+$0xC0]  }
0x12f: {  	v6 =	vld [tilespmem:s13+$0xD0]  }
0x130: {  	v4 =	vld [tilespmem:s13+$0x80]  }
0x131: {  	v10 =	vld [tilespmem:s13+$0x90]  }
0x132: {  	v11 =	vld [tilespmem:s13+$0x40]  }
0x133: {  	v13 =	vld [tilespmem:s13+$0x50]  }
0x134: {  	v14 =	vld [tilespmem:s13+$0x0]  }
0x135: {  	v15 =	vld [tilespmem:s13+$0x10]  }
0x136: {  	v16 =	vld [tilespmem:s13+$0x20]  }
0x137: {  	v17 =	vld [tilespmem:s13+$0x30]  }
0x138: {  	v18 =	vld [tilespmem:s13+$0x60]  }
0x139: {  	v19 =	vld [tilespmem:s13+$0x70]  }
0x13a: {  	v20 =	vimm.f32 $0.0e+00;
	v21 =	vld [tilespmem:s13+$0xA0]  }
0x13b: {  	v22 =	vld [tilespmem:s13+$0xB0];
	v14 =	vadd.f32 v14, v20;
	v15 =	vadd.f32 v15, v20  }
0x13c: {  	v59 =	vld [tilespmem:s13+$0xE0];
	v16 =	vadd.f32 v16, v20;
	v17 =	vadd.f32 v17, v20  }
0x13d: {  	v11 =	vadd.f32 v11, v14;
	v13 =	vadd.f32 v13, v15;
	v14 =	vld [tilespmem:s13+$0xF0]  }
0x13e: {  	v61 =	vld [tilespmem:s13+$0x120];
	v15 =	vadd.f32 v18, v16;
	v60 =	vadd.f32 v19, v17  }
0x13f: {  	v11 =	vadd.f32 v4, v11;
	v10 =	vadd.f32 v10, v13;
	v13 =	vld [tilespmem:s13+$0x130]  }
0x140: {  	v15 =	vadd.f32 v21, v15;
	v16 =	vadd.f32 v22, v60;
	v4 =	vld [tilespmem:s13+$0x160]  }
0x141: {  	v11 =	vadd.f32 v5, v11;
	v10 =	vadd.f32 v6, v10;
	v6 =	vld [tilespmem:s13+$0x170]  }
0x142: {  	v15 =	vadd.f32 v59, v15;
	v5 =	vld [tilespmem:s13+$0x1A0];
	v14 =	vadd.f32 v14, v16  }
0x143: {  	v62 =	vadd.f32 v7, v11;
	v63 =	vadd.f32 v8, v10;
	v8 =	vld [tilespmem:s13+$0x1B0]  }
0x144: {  	v11 =	vadd.f32 v61, v15;
	v7 =	vld [tilespmem:s13+$0x1E0];
	v10 =	vadd.f32 v13, v14  }
0x145: {  	s9 =	simm.s32 $0x0;
	s11 =	simm.s32 $0xFC00;
	v13 =	vadd.f32 v9, v62;
	v12 =	vadd.f32 v12, v63;
	v9 =	vld [tilespmem:s13+$0x1F0]  }
.LBB2_9:
0x146: {  	v14 =	vld [tilespmem:s11+$0x1C0];
	v4 =	vadd.f32 v4, v11;
	v6 =	vadd.f32 v6, v10  }
0x147: {  	v10 =	vld [tilespmem:s11+$0x1D0];
	v11 =	vadd.f32 v2, v13;
	v12 =	vadd.f32 v3, v12  }
0x148: {  	v2 =	vld [tilespmem:s11+$0x180];
	v4 =	vadd.f32 v5, v4;
	v5 =	vadd.f32 v8, v6  }
0x149: {  	v3 =	vld [tilespmem:s11+$0x190];
	v6 =	vadd.f32 v0, v11;
	v8 =	vadd.f32 v1, v12  }
0x14a: {  	v12 =	vld [tilespmem:s11+$0x140];
	v4 =	vadd.f32 v7, v4;
	v5 =	vadd.f32 v9, v5  }
0x14b: {  	v9 =	vld [tilespmem:s11+$0x150];
	v0 =	vmov v14  }
0x14c: {  	v7 =	vld [tilespmem:s11+$0x100];
	v1 =	vmov v10  }
0x14d: {  	v10 =	vld [tilespmem:s11+$0x110]  }
0x14e: {  	v11 =	vld [tilespmem:s11+$0xC0]  }
0x14f: {  	v13 =	vld [tilespmem:s11+$0xD0]  }
0x150: {  	v14 =	vld [tilespmem:s11+$0x80]  }
0x151: {  	v15 =	vld [tilespmem:s11+$0x90]  }
0x152: {  	v16 =	vld [tilespmem:s11+$0x40]  }
0x153: {  	v17 =	vld [tilespmem:s11+$0x50]  }
0x154: {  	v18 =	vld [tilespmem:s11+$0x0]  }
0x155: {  	v19 =	vld [tilespmem:s11+$0x10]  }
0x156: {  	v20 =	vld [tilespmem:s11+$0x20]  }
0x157: {  	s9 =	sadd.s32 $0x8, s9;
	v21 =	vld [tilespmem:s11+$0x30]  }
0x158: {  	p1 =	slt.u32 s9, $0xC0;
	v22 =	vld [tilespmem:s11+$0x60]  }
0x159: {  	v23 =	vld [tilespmem:s11+$0x70]  }
0x15a: {  	v24 =	vld [tilespmem:s11+$0xA0]  }
0x15b: {  	v6 =	vadd.f32 v18, v6;
	v8 =	vadd.f32 v19, v8;
	v18 =	vld [tilespmem:s11+$0xB0]  }
0x15c: {  	v4 =	vadd.f32 v20, v4;
	v5 =	vadd.f32 v21, v5;
	v19 =	vld [tilespmem:s11+$0xE0]  }
0x15d: {  	v6 =	vadd.f32 v16, v6;
	v8 =	vadd.f32 v17, v8;
	v16 =	vld [tilespmem:s11+$0xF0]  }
0x15e: {  	v4 =	vadd.f32 v22, v4;
	v5 =	vadd.f32 v23, v5;
	v17 =	vld [tilespmem:s11+$0x120]  }
0x15f: {  	v6 =	vadd.f32 v14, v6;
	v8 =	vadd.f32 v15, v8;
	v14 =	vld [tilespmem:s11+$0x130]  }
0x160: {  	v15 =	vadd.f32 v24, v4;
	v5 =	vadd.f32 v18, v5;
	v4 =	vld [tilespmem:s11+$0x160]  }
.Ltmp5:
0x161: {  	v11 =	vadd.f32 v11, v6;
	v8 =	vadd.f32 v13, v8;
	v6 =	vld [tilespmem:s11+$0x170];
	(pc) =	sbr.rel @p1 .LBB2_9-.Ltmp5, $4  }
0x162: {  	v13 =	vadd.f32 v19, v15;
	v15 =	vadd.f32 v16, v5;
	v5 =	vld [tilespmem:s11+$0x1A0]  }
0x163: {  	v16 =	vadd.f32 v7, v11;
	v18 =	vadd.f32 v10, v8;
	v8 =	vld [tilespmem:s11+$0x1B0]  }
0x164: {  	v11 =	vadd.f32 v17, v13;
	v10 =	vadd.f32 v14, v15;
	v7 =	vld [tilespmem:s11+$0x1E0]  }
0x165: {  	v13 =	vadd.f32 v12, v16;
	v12 =	vadd.f32 v9, v18;
	v9 =	vld [tilespmem:s11+$0x1F0];
	s11 =	sadd.s32 $0x200, s11  }
0x166: {  	_ = 	snop  }
0x167: {  	v4 =	vadd.f32 v4, v11;
	v2 =	vadd.f32 v2, v13  }
0x168: {  	v6 =	vadd.f32 v6, v10;
	v3 =	vadd.f32 v3, v12  }
0x169: {  	v4 =	vadd.f32 v5, v4;
	v0 =	vadd.f32 v0, v2  }
.Ltmp6:
0x16a: {  	v61 =	vadd.f32 v8, v6;
	v1 =	vadd.f32 v1, v3;
	(pc) =	sbr.rel @p0 .LBB2_12-.Ltmp6, $4  }
0x16b: {  	v62 =	vadd.f32 v7, v4;
	[tilespmem:s0+$0x12CC0] =	vst v0  }
0x16c: {  	v63 =	vadd.f32 v9, v61;
	[tilespmem:s0+$0x12CD0] =	vst v1  }
0x16d: {  	[tilespmem:s0+$0x12CE0] =	vst v62  }
0x16e: {  	[tilespmem:s0+$0x12CF0] =	vst v63  }
0x16f: {  	s0 =	smul.u32 $0xC80, s1;
	_ =	sdelay $0x1  }
.Ltmp7:
0x170: {  	s0 =	sshra.s32 s0, $0x2;
	(pc) =	sbr.rel .LBB2_2-.Ltmp7, $4  }
0x171: {  	s9 =	sadd.s32 $0x578, s0  }
0x172: {  	[tilespmem:s21], [sflag:$0x5] =	stream.indirect.gather [hbm4b:s3+s8], $0x40, s9, s8, $0xb8;
	[tilespmem:$0x14C00] =	vst v63  }
0x173: {  	s1 =	sadd.s32 $0x1, s1;
	s0 =	sadd.s32 $0x5E0, s0  }
0x174: {  	[tilespmem:s23], [sflag:$0x5] =	stream.indirect.gather [hbm4b:s3+s10], $0x40, s0, s10, $0xb8;
	[tilespmem:$0x14C00] =	vst v63  }
.LBB2_13:
0x175: {  	_ =	sfence.sel $0x180000  }
0x176: {  	[bflag:$0x0] =	sbarrier.arrive $0xFFFF  }
0x177: {  	_ =	strace $0x90000047  }
0x178: {  	s0 =	stileid.u32;
	[bflag:$0x2] =	sbarrier.arrive $0xFFFF  }
0x179: {  	p0 =	sne.s32 s0, $0x0;
	s0 =	rddreg [dreg:$0x2]  }
0x17a: {  	s0 =	sadd.s32 @!p0 $0x100000, s0  }
0x17b: {  	[sflag:s0] =	ssyncadd.tile.s32 @!p0 $0x1;
	_ =	shalt  }
.Lfunc_end2:
_tile_overlayer_lowered:
.L_overlay_start_2:
0x17c: {  	(tag) =	ssettag $0x2  }
0x17d: {  	s0 =	rddreg [dreg:$0x0];
	s2 =	stileid.u32  }
0x17e: {  	s1 =	rddreg [dreg:$0x1];
	p0 =	sne.s32 s2, $0x0  }
0x17f: {  	s3 =	rddreg [dreg:$0x2];
	[bflag:$0x3] =	sbarrier.arrive $0xFFFF;
	s2 =	simm.s32 @!p0 $0x1C06  }
0x180: {  	[timem:s3], [sflag:s2] =	dma.local @!p0 [hbm:s0], s1  }
0x181: {  	s0 =	simm.s32 @!p0 $0x6  }
0x182: {  	_ =	swait.ge @!p0 [sflag:s0], s1  }
0x183: {  	s1 =	ssub.s32 @!p0 $0x0, s1;
	[sflag:s0] =	ssyncset.done @!p0 $0x0  }
0x184: {  	[sflag:s0] =	ssyncadd.s32 @!p0 s1  }
0x185: {  	[bflag:$0x3] =	sbarrier.arrive $0xFFFF  }
0x186: {  	_ =	shalt  }

</sc_bundles>
